<compile_context>
chip_gen: v7x
topology: tpu7x:2x2x1
jax: 0.10.2.dev20260603
libtpu: 0.0.44.dev20260713+nightly
codegen_flags: <defaults>
</compile_context>

<pallas_src>
import functools

import jax
import jax.numpy as jnp
from jax import lax
from jax.experimental import pallas as pl
from jax.experimental.pallas import tpu as pltpu
from jax.experimental.pallas import tpu_sc as plsc

D = 64
B = 16384
K = 200
STEPS = 4

NC = 2
NS = 16
NW = NC * NS
BH = B // 2
QPW = BH // NW
SUP_PAD = 512
SPW = SUP_PAD // NW
QCH = 128

RCC = 8192
NRC = 13
VROWS = NRC * RCC

BLK = 2048
GRID = B // BLK


def _restage_body(tblT_ref, out_ref):
    out_ref[:, 0:D] = tblT_ref[:].T
    out_ref[:, D:2 * D] = jnp.zeros((RCC, D), jnp.float32)


_restage_tc = pl.pallas_call(
    _restage_body,
    grid=(NRC,),
    in_specs=[pl.BlockSpec((D, RCC), lambda i: (0, i))],
    out_specs=pl.BlockSpec((RCC, 2 * D), lambda i: (i, 0)),
    out_shape=jax.ShapeDtypeStruct((VROWS, 2 * D), jnp.float32),
    compiler_params=pltpu.CompilerParams(
        dimension_semantics=("arbitrary",)),
)


def _gather_sup_body(staged_hbm, sidx_hbm, sout_hbm, sidx_v, srows_v, sem):
    wid = lax.axis_index("s") * NC + lax.axis_index("c")
    pltpu.sync_copy(sidx_hbm.at[wid], sidx_v)
    pltpu.async_copy(staged_hbm.at[sidx_v], srows_v, sem).wait()
    pltpu.sync_copy(srows_v, sout_hbm.at[pl.ds(wid * SPW, SPW)])


def _gather_body(staged_hbm, qidx_hbm, qout_hbm, qidx_v, qrows_v, sem):
    wid = lax.axis_index("s") * NC + lax.axis_index("c")
    pltpu.sync_copy(qidx_hbm.at[wid], qidx_v)
    copies = []
    for j in range(QPW // QCH):
        copies.append(pltpu.async_copy(
            staged_hbm.at[qidx_v.at[j]], qrows_v.at[pl.ds(j * QCH, QCH)], sem))
    for c in copies:
        c.wait()
    pltpu.sync_copy(qrows_v, qout_hbm.at[pl.ds(wid * QPW, QPW)])


@functools.cache
def _sc_kernels():
    mesh = plsc.VectorSubcoreMesh(core_axis_name="c", subcore_axis_name="s",
                                  num_cores=NC, num_subcores=NS)
    gather_sup = pl.kernel(
        _gather_sup_body,
        out_type=jax.ShapeDtypeStruct((SUP_PAD, 2 * D), jnp.float32),
        mesh=mesh,
        scratch_types=[
            pltpu.VMEM((SPW,), jnp.int32),
            pltpu.VMEM((SPW, 2 * D), jnp.float32),
            pltpu.SemaphoreType.DMA,
        ],
    )
    gather_plain = pl.kernel(
        _gather_body,
        out_type=jax.ShapeDtypeStruct((BH, 2 * D), jnp.float32),
        mesh=mesh,
        scratch_types=[
            pltpu.VMEM((QPW // QCH, QCH), jnp.int32),
            pltpu.VMEM((QPW, 2 * D), jnp.float32),
            pltpu.SemaphoreType.DMA,
        ],
    )
    return gather_sup, gather_plain


def _sigmoid(x):
    return 0.5 * jnp.tanh(0.5 * x) + 0.5


def _bdot_t(a, b):
    return lax.dot_general(a.astype(jnp.bfloat16), b.astype(jnp.bfloat16),
                           (((1,), (1,)), ((), ())),
                           preferred_element_type=jnp.float32)


def _bdot(a, b):
    return jnp.dot(a.astype(jnp.bfloat16), b.astype(jnp.bfloat16),
                   preferred_element_type=jnp.float32)


def _support_body(sup_ref, gcnT_ref, gcnb_ref, w1T_ref, b1_ref,
                  w2T_ref, b2_ref, gamma_ref, beta_ref,
                  whhrT_ref, bsum_ref, sg_ref, gb_ref):
    sup = sup_ref[:, 0:D]
    rel_t = _bdot(sup[0:K], gcnT_ref[0:D])
    ent_t = _bdot(sup[K:2 * K], gcnT_ref[D:2 * D])
    pooled = (jnp.sum(rel_t + ent_t, axis=0, keepdims=True)
              + float(K) * gcnb_ref[:])
    support = jnp.tanh(pooled)
    h1 = jnp.maximum(_bdot(support, w1T_ref[:]) + b1_ref[:], 0.0)
    h2 = _bdot(h1, w2T_ref[:]) + b2_ref[:]
    x = h2 + support
    mu = jnp.mean(x, axis=1, keepdims=True)
    xc = x - mu
    sig = jnp.sqrt(jnp.sum(xc * xc, axis=1, keepdims=True) / (D - 1))
    sg = gamma_ref[:] * xc / (sig + 1e-6) + beta_ref[:]
    sg_ref[:] = sg
    gb_ref[:] = _bdot(sg, whhrT_ref[:]) + bsum_ref[:]


_support_tc = pl.pallas_call(
    _support_body,
    out_shape=(jax.ShapeDtypeStruct((1, D), jnp.float32),
               jax.ShapeDtypeStruct((1, 8 * D), jnp.float32)),
)


def _dense_body(q_ref, sup_sg_ref, sup_gb_ref, bsum_ref,
                wi_i_ref, wi_f_ref, wi_g_ref, wi_o_ref,
                wh_i_ref, wh_f_ref, wh_g_ref, wh_o_ref, out_ref):
    sg = sup_sg_ref[:]
    gb_scr = sup_gb_ref
    qb = q_ref[:, 0:D]
    qg_i = _bdot_t(qb, wi_i_ref[:])
    qg_f = _bdot_t(qb, wi_f_ref[:])
    qg_g = _bdot_t(qb, wi_g_ref[:])
    qg_o = _bdot_t(qb, wi_o_ref[:])
    gb = gb_scr[:]
    bs = bsum_ref[:]

    c = (_sigmoid(qg_i + bs[:, 0:2 * D])
         * jnp.tanh(qg_g + bs[:, 4 * D:6 * D]))
    h = qb + (_sigmoid(qg_o + bs[:, 6 * D:7 * D])
              * jnp.tanh(c[:, 0:D]))

    gc_i = qg_i + gb[:, 0:2 * D]
    gc_f = qg_f + gb[:, 2 * D:4 * D]
    gc_g = qg_g + gb[:, 4 * D:6 * D]
    gc_o = qg_o + gb[:, 6 * D:7 * D]
    for _ in range(STEPS - 1):
        c = (_sigmoid(gc_f + _bdot_t(h, wh_f_ref[:])) * c
             + _sigmoid(gc_i + _bdot_t(h, wh_i_ref[:]))
             * jnp.tanh(gc_g + _bdot_t(h, wh_g_ref[:])))
        h = qb + (_sigmoid(gc_o + _bdot_t(h, wh_o_ref[:]))
                  * jnp.tanh(c[:, 0:D]))

    cross = jnp.sum(h * sg, axis=1)
    hsq = jnp.sum(h * h, axis=1)
    sgsq = jnp.sum(sg * sg)
    out_ref[:] = cross * lax.rsqrt(hsq * sgsq)


def _const_spec(shape):
    return pl.BlockSpec(shape, lambda i: tuple(0 for _ in shape))


_dense_tc = pl.pallas_call(
    _dense_body,
    grid=(BH // BLK,),
    in_specs=[
        pl.BlockSpec((BLK, 2 * D), lambda i: (i, 0)),
        _const_spec((1, D)),
        _const_spec((1, 8 * D)),
        _const_spec((1, 8 * D)),
        _const_spec((2 * D, D)),
        _const_spec((2 * D, D)),
        _const_spec((2 * D, D)),
        _const_spec((D, D)),
        _const_spec((2 * D, D)),
        _const_spec((2 * D, D)),
        _const_spec((2 * D, D)),
        _const_spec((D, D)),
    ],
    out_specs=pl.BlockSpec((BLK,), lambda i: (i,)),
    out_shape=jax.ShapeDtypeStruct((BH,), jnp.float32),
    compiler_params=pltpu.CompilerParams(
        dimension_semantics=("arbitrary",)),
)


def kernel(query_pairs, support_pairs_relations, support_pairs_entities,
           symbol_emb, gcn_w_W, gcn_w_b, se_w1, se_b1, se_w2, se_b2,
           se_gamma, se_beta, lstm_Wih, lstm_Whh, lstm_bih, lstm_bhh):
    qidx = query_pairs.astype(jnp.int32).reshape(2, NW, QPW // QCH, QCH)
    sidx = jnp.concatenate([
        support_pairs_relations.astype(jnp.int32).reshape(-1),
        support_pairs_entities.astype(jnp.int32).reshape(-1),
        jnp.zeros((SUP_PAD - 2 * K,), jnp.int32),
    ]).reshape(NW, SPW)

    gather_sup, gather_plain = _sc_kernels()
    staged = _restage_tc(symbol_emb.T)
    sup_rows = gather_sup(staged, sidx)
    q_a = gather_plain(staged, qidx[0])
    bsum = (lstm_bih + lstm_bhh).reshape(1, 8 * D)
    sg, gb = _support_tc(
        sup_rows,
        gcn_w_W.T, gcn_w_b.reshape(1, D),
        se_w1.T, se_b1.reshape(1, 2 * D),
        se_w2.T, se_b2.reshape(1, D),
        se_gamma.reshape(1, D), se_beta.reshape(1, D),
        lstm_Whh[:, D:2 * D].T, bsum,
    )
    q_b = gather_plain(staged, qidx[1])

    def dense_half(q_rows):
        return _dense_tc(
            q_rows, sg, gb, bsum,
            lstm_Wih[0:2 * D], lstm_Wih[2 * D:4 * D],
            lstm_Wih[4 * D:6 * D], lstm_Wih[6 * D:7 * D],
            lstm_Whh[0:2 * D, 0:D], lstm_Whh[2 * D:4 * D, 0:D],
            lstm_Whh[4 * D:6 * D, 0:D], lstm_Whh[6 * D:7 * D, 0:D],
        )

    return jnp.concatenate([dense_half(q_a), dense_half(q_b)])

# --- scband reference (transcript-rebuilt; emitter-appended) ---
"""Pipeline reference for scband-embed-matcher-68040871903505 (READ-ONLY COPY).

The authoritative reference and input builder live on the scoring server;
editing this copy changes nothing except your own understanding.
"""

import jax, jax.numpy as jnp
import numpy as np

EMBED_DIM = 64
NUM_SYMBOLS = 100000
PROCESS_STEPS = 4
BATCH = 16384
FEW = 1
NEIGH = 200


def setup_inputs(seed: int = 0) -> dict:
    key = jax.random.key(seed)
    ks = [jax.random.fold_in(key, i) for i in range(16)]
    d = EMBED_DIM
    query_pairs = jax.random.randint(ks[0], (BATCH,), 0, NUM_SYMBOLS)
    support_pairs_relations = jax.random.randint(ks[1], (FEW, NEIGH), 0, NUM_SYMBOLS)
    support_pairs_entities = jax.random.randint(ks[2], (FEW, NEIGH), 0, NUM_SYMBOLS)
    symbol_emb = jax.random.normal(ks[3], (NUM_SYMBOLS + 1, d), jnp.float32) * 0.02
    symbol_emb = symbol_emb.at[NUM_SYMBOLS].set(0.0)  # padding row
    gcn_w_W = jax.random.normal(ks[4], (d, 2 * d), jnp.float32) * (1.0 / np.sqrt(2 * d))
    gcn_w_b = jnp.zeros((d,), jnp.float32)
    se_w1 = jax.random.normal(ks[5], (2 * d, d), jnp.float32) * (1.0 / np.sqrt(d))
    se_b1 = jnp.zeros((2 * d,), jnp.float32)
    se_w2 = jax.random.normal(ks[6], (d, 2 * d), jnp.float32) * (1.0 / np.sqrt(2 * d))
    se_b2 = jnp.zeros((d,), jnp.float32)
    se_gamma = jnp.ones((d,), jnp.float32)
    se_beta = jnp.zeros((d,), jnp.float32)
    lstm_Wih = jax.random.normal(ks[7], (8 * d, d), jnp.float32) * (1.0 / np.sqrt(2 * d))
    lstm_Whh = jax.random.normal(ks[8], (8 * d, 2 * d), jnp.float32) * (1.0 / np.sqrt(2 * d))
    lstm_bih = jnp.zeros((8 * d,), jnp.float32)
    lstm_bhh = jnp.zeros((8 * d,), jnp.float32)
    return {
        'query_pairs': query_pairs,
        'support_pairs_relations': support_pairs_relations,
        'support_pairs_entities': support_pairs_entities,
        'symbol_emb': symbol_emb,
        'gcn_w_W': gcn_w_W, 'gcn_w_b': gcn_w_b,
        'se_w1': se_w1, 'se_b1': se_b1, 'se_w2': se_w2, 'se_b2': se_b2,
        'se_gamma': se_gamma, 'se_beta': se_beta,
        'lstm_Wih': lstm_Wih, 'lstm_Whh': lstm_Whh,
        'lstm_bih': lstm_bih, 'lstm_bhh': lstm_bhh,
    }


def reference(query_pairs, support_pairs_relations, support_pairs_entities,
              symbol_emb, gcn_w_W, gcn_w_b,
              se_w1, se_b1, se_w2, se_b2, se_gamma, se_beta,
              lstm_Wih, lstm_Whh, lstm_bih, lstm_bhh):
    d = EMBED_DIM
    # neighbor_encoder (dropout = identity in eval mode)
    rel_e = jnp.take(symbol_emb, support_pairs_relations, axis=0)   # (few, K, d)
    ent_e = jnp.take(symbol_emb, support_pairs_entities, axis=0)    # (few, K, d)
    concat = jnp.concatenate([rel_e, ent_e], axis=-1)               # (few, K, 2d)
    out = concat @ gcn_w_W.T + gcn_w_b                              # (few, K, d)
    out = jnp.sum(out, axis=1) / support_pairs_relations.shape[0]   # (few, d)
    support = jnp.tanh(out)
    # SupportEncoder: FFN + residual + layernorm (torch.std is unbiased)
    h1 = jax.nn.relu(support @ se_w1.T + se_b1)
    h2 = h1 @ se_w2.T + se_b2
    x = h2 + support
    mu = jnp.mean(x, axis=-1, keepdims=True)
    sig = jnp.std(x, axis=-1, ddof=1, keepdims=True)
    support_g = se_gamma * (x - mu) / (sig + 1e-6) + se_beta        # (few, d)
    # query embedding + QueryEncoder (LSTM process block, matching networks)
    q = jnp.take(symbol_emb, query_pairs, axis=0)                   # (B, d)
    B = q.shape[0]
    hr = jnp.zeros((B, 2 * d), q.dtype)
    c = jnp.zeros((B, 2 * d), q.dtype)
    h = q
    for _ in range(PROCESS_STEPS):
        gates = q @ lstm_Wih.T + lstm_bih + hr @ lstm_Whh.T + lstm_bhh
        i_g, f_g, g_g, o_g = jnp.split(gates, 4, axis=1)
        c = jax.nn.sigmoid(f_g) * c + jax.nn.sigmoid(i_g) * jnp.tanh(g_g)
        h_lstm = jax.nn.sigmoid(o_g) * jnp.tanh(c)
        h = q + h_lstm[:, :d]
        attn = jax.nn.softmax(h @ support_g.T, axis=1)
        r = attn @ support_g
        hr = jnp.concatenate([h, r], axis=1)
    query_embeds = h                                                # (B, d)
    cross = jnp.sum(query_embeds * support_g, axis=1)
    x1_l2 = jnp.sum(query_embeds * query_embeds, axis=1)
    x2_l2 = jnp.sum(support_g * support_g, axis=1)
    matching_scores = cross / jnp.sqrt(x1_l2 * x2_l2)
    return jnp.squeeze(matching_scores)

if __name__ == "__main__":
    import jax
    _d = setup_inputs()
    print(jax.jit(kernel)(*tuple(_d.values())))

</pallas_src>

<mosaic_0001>
#map = affine_map<(d0, d1) -> (0, 0)>
#map1 = affine_map<(d0, d1) -> (0, 0, 0)>
module attributes {stable_mosaic.version = 14 : i64} {
  func.func @_gather_body(%arg0: i32, %arg1: i32, %arg2: memref<106496x128xf32, #tpu.memory_space<hbm>>, %arg3: memref<32x2x128xi32, #tpu.memory_space<hbm>>, %arg4: memref<8192x128xf32, #tpu.memory_space<hbm>>, %arg5: memref<2x128xi32, #tpu.memory_space<vmem>>, %arg6: memref<256x128xf32, #tpu.memory_space<vmem>>, %arg7: memref<!tpu.dma_semaphore, #tpu.memory_space<semaphore_mem>>) attributes {dimension_semantics = [#tpu.dimension_semantics<core_parallel>, #tpu.dimension_semantics<subcore_parallel>], iteration_bounds = array<i64: 2, 16>, scalar_prefetch = 0 : i64, scratch_operands = 3 : i64, tpu.core_type = #tpu.core_type<sc_vector_subcore>, window_params = [{transform_indices = #map}, {transform_indices = #map1}, {transform_indices = #map}]} {
    %mul3A = arith.constant 2 : i32
    %mul3A_0 = arith.muli %arg1, %mul3A : i32
    %add3A = arith.addi %mul3A_0, %arg0 : i32
    "tpu.region"() ({
      %run_scoped3A = tpu.sem_alloc : memref<!tpu.dma_semaphore, #tpu.memory_space<semaphore_mem>>
      %dma_start3A_41 = arith.constant 0 : i32
      %dma_start3A_42 = arith.constant 0 : i32
      %dma_start3A_43 = tpu.memref_slice %arg3[%add3A, %dma_start3A_41, %dma_start3A_42] : memref<32x2x128xi32, #tpu.memory_space<hbm>> -> memref<1x2x128xi32, #tpu.memory_space<hbm>>
      %dma_start3A_44 = tpu.memref_squeeze %dma_start3A_43 : memref<1x2x128xi32, #tpu.memory_space<hbm>> -> memref<2x128xi32, #tpu.memory_space<hbm>>
      %dma_start3A_45 = arith.constant 0 : i32
      %dma_start3A_46 = arith.constant 0 : i32
      %dma_start3A_47 = tpu.memref_slice %arg3[%add3A, %dma_start3A_45, %dma_start3A_46] : memref<32x2x128xi32, #tpu.memory_space<hbm>> -> memref<1x2x128xi32, #tpu.memory_space<hbm>>
      %dma_start3A_48 = tpu.memref_squeeze %dma_start3A_47 : memref<1x2x128xi32, #tpu.memory_space<hbm>> -> memref<2x128xi32, #tpu.memory_space<hbm>>
      tpu.enqueue_dma source(%dma_start3A_48 : memref<2x128xi32, #tpu.memory_space<hbm>>) target(%arg5 : memref<2x128xi32, #tpu.memory_space<vmem>>) target_semaphore(%run_scoped3A : memref<!tpu.dma_semaphore, #tpu.memory_space<semaphore_mem>>)
      %dma_wait3A_49 = arith.constant 0 : i32
      %dma_wait3A_50 = arith.constant 0 : i32
      %dma_wait3A_51 = tpu.memref_slice %arg3[%add3A, %dma_wait3A_49, %dma_wait3A_50] : memref<32x2x128xi32, #tpu.memory_space<hbm>> -> memref<1x2x128xi32, #tpu.memory_space<hbm>>
      %dma_wait3A_52 = tpu.memref_squeeze %dma_wait3A_51 : memref<1x2x128xi32, #tpu.memory_space<hbm>> -> memref<2x128xi32, #tpu.memory_space<hbm>>
      %dma_wait3A_53 = arith.constant 0 : i32
      %dma_wait3A_54 = arith.constant 0 : i32
      %dma_wait3A_55 = tpu.memref_slice %arg3[%add3A, %dma_wait3A_53, %dma_wait3A_54] : memref<32x2x128xi32, #tpu.memory_space<hbm>> -> memref<1x2x128xi32, #tpu.memory_space<hbm>>
      %dma_wait3A_56 = tpu.memref_squeeze %dma_wait3A_55 : memref<1x2x128xi32, #tpu.memory_space<hbm>> -> memref<2x128xi32, #tpu.memory_space<hbm>>
      tpu.wait_dma2 semaphore(%run_scoped3A : memref<!tpu.dma_semaphore, #tpu.memory_space<semaphore_mem>>) src(%dma_wait3A_56 : memref<2x128xi32, #tpu.memory_space<hbm>>) dst(%arg5 : memref<2x128xi32, #tpu.memory_space<vmem>>)
      tpu.yield
    }) : () -> ()
    %dma_start3A = arith.constant 0 : i32
    %dma_start3A_1 = arith.constant 0 : i32
    %dma_start3A_2 = arith.constant 0 : i32
    %dma_start3A_3 = tpu.memref_slice %arg6[%dma_start3A_1, %dma_start3A_2] : memref<256x128xf32, #tpu.memory_space<vmem>> -> memref<128x128xf32, #tpu.memory_space<vmem>>
    %dma_start3A_4 = arith.constant 0 : i32
    %dma_start3A_5 = tpu.memref_slice %arg5[%dma_start3A, %dma_start3A_4] : memref<2x128xi32, #tpu.memory_space<vmem>> -> memref<1x128xi32, #tpu.memory_space<vmem>>
    %dma_start3A_6 = tpu.memref_squeeze %dma_start3A_5 : memref<1x128xi32, #tpu.memory_space<vmem>> -> memref<128xi32, #tpu.memory_space<vmem>>
    %dma_start3A_7 = arith.constant 0 : i32
    %dma_start3A_8 = arith.constant 0 : i32
    %dma_start3A_9 = tpu.memref_slice %arg2[%dma_start3A_7, %dma_start3A_8] : memref<106496x128xf32, #tpu.memory_space<hbm>> -> memref<106496x128xf32, #tpu.memory_space<hbm>>
    tpu.enqueue_indirect_dma source(%dma_start3A_9 : memref<106496x128xf32, #tpu.memory_space<hbm>>) target(%dma_start3A_3 : memref<128x128xf32, #tpu.memory_space<vmem>>) offsets(%dma_start3A_6 : memref<128xi32, #tpu.memory_space<vmem>>) semaphore(%arg7 : memref<!tpu.dma_semaphore, #tpu.memory_space<semaphore_mem>>)
    %dma_start3A_10 = arith.constant 1 : i32
    %dma_start3A_11 = arith.constant 128 : i32
    %dma_start3A_12 = arith.constant 0 : i32
    %dma_start3A_13 = tpu.memref_slice %arg6[%dma_start3A_11, %dma_start3A_12] : memref<256x128xf32, #tpu.memory_space<vmem>> -> memref<128x128xf32, #tpu.memory_space<vmem>>
    %dma_start3A_14 = arith.constant 0 : i32
    %dma_start3A_15 = tpu.memref_slice %arg5[%dma_start3A_10, %dma_start3A_14] : memref<2x128xi32, #tpu.memory_space<vmem>> -> memref<1x128xi32, #tpu.memory_space<vmem>>
    %dma_start3A_16 = tpu.memref_squeeze %dma_start3A_15 : memref<1x128xi32, #tpu.memory_space<vmem>> -> memref<128xi32, #tpu.memory_space<vmem>>
    %dma_start3A_17 = arith.constant 0 : i32
    %dma_start3A_18 = arith.constant 0 : i32
    %dma_start3A_19 = tpu.memref_slice %arg2[%dma_start3A_17, %dma_start3A_18] : memref<106496x128xf32, #tpu.memory_space<hbm>> -> memref<106496x128xf32, #tpu.memory_space<hbm>>
    tpu.enqueue_indirect_dma source(%dma_start3A_19 : memref<106496x128xf32, #tpu.memory_space<hbm>>) target(%dma_start3A_13 : memref<128x128xf32, #tpu.memory_space<vmem>>) offsets(%dma_start3A_16 : memref<128xi32, #tpu.memory_space<vmem>>) semaphore(%arg7 : memref<!tpu.dma_semaphore, #tpu.memory_space<semaphore_mem>>)
    %dma_wait3A = arith.constant 0 : i32
    %dma_wait3A_20 = arith.constant 0 : i32
    %dma_wait3A_21 = arith.constant 0 : i32
    %dma_wait3A_22 = tpu.memref_slice %arg6[%dma_wait3A_20, %dma_wait3A_21] : memref<256x128xf32, #tpu.memory_space<vmem>> -> memref<128x128xf32, #tpu.memory_space<vmem>>
    %dma_wait3A_23 = arith.constant 0 : i32
    %dma_wait3A_24 = tpu.memref_slice %arg5[%dma_wait3A, %dma_wait3A_23] : memref<2x128xi32, #tpu.memory_space<vmem>> -> memref<1x128xi32, #tpu.memory_space<vmem>>
    %dma_wait3A_25 = tpu.memref_squeeze %dma_wait3A_24 : memref<1x128xi32, #tpu.memory_space<vmem>> -> memref<128xi32, #tpu.memory_space<vmem>>
    %dma_wait3A_26 = arith.constant 0 : i32
    %dma_wait3A_27 = arith.constant 0 : i32
    %dma_wait3A_28 = tpu.memref_slice %arg2[%dma_wait3A_26, %dma_wait3A_27] : memref<106496x128xf32, #tpu.memory_space<hbm>> -> memref<106496x128xf32, #tpu.memory_space<hbm>>
    tpu.wait_indirect_dma semaphore(%arg7 : memref<!tpu.dma_semaphore, #tpu.memory_space<semaphore_mem>>) src(%dma_wait3A_28 : memref<106496x128xf32, #tpu.memory_space<hbm>>) dst(%dma_wait3A_22 : memref<128x128xf32, #tpu.memory_space<vmem>>)
    %dma_wait3A_29 = arith.constant 1 : i32
    %dma_wait3A_30 = arith.constant 128 : i32
    %dma_wait3A_31 = arith.constant 0 : i32
    %dma_wait3A_32 = tpu.memref_slice %arg6[%dma_wait3A_30, %dma_wait3A_31] : memref<256x128xf32, #tpu.memory_space<vmem>> -> memref<128x128xf32, #tpu.memory_space<vmem>>
    %dma_wait3A_33 = arith.constant 0 : i32
    %dma_wait3A_34 = tpu.memref_slice %arg5[%dma_wait3A_29, %dma_wait3A_33] : memref<2x128xi32, #tpu.memory_space<vmem>> -> memref<1x128xi32, #tpu.memory_space<vmem>>
    %dma_wait3A_35 = tpu.memref_squeeze %dma_wait3A_34 : memref<1x128xi32, #tpu.memory_space<vmem>> -> memref<128xi32, #tpu.memory_space<vmem>>
    %dma_wait3A_36 = arith.constant 0 : i32
    %dma_wait3A_37 = arith.constant 0 : i32
    %dma_wait3A_38 = tpu.memref_slice %arg2[%dma_wait3A_36, %dma_wait3A_37] : memref<106496x128xf32, #tpu.memory_space<hbm>> -> memref<106496x128xf32, #tpu.memory_space<hbm>>
    tpu.wait_indirect_dma semaphore(%arg7 : memref<!tpu.dma_semaphore, #tpu.memory_space<semaphore_mem>>) src(%dma_wait3A_38 : memref<106496x128xf32, #tpu.memory_space<hbm>>) dst(%dma_wait3A_32 : memref<128x128xf32, #tpu.memory_space<vmem>>)
    %mul3A_39 = arith.constant 256 : i32
    %mul3A_40 = arith.muli %add3A, %mul3A_39 : i32
    "tpu.region"() ({
      %run_scoped3A = tpu.sem_alloc : memref<!tpu.dma_semaphore, #tpu.memory_space<semaphore_mem>>
      %dma_start3A_41 = arith.constant 0 : i32
      %dma_start3A_42 = tpu.memref_slice %arg4[%mul3A_40, %dma_start3A_41] : memref<8192x128xf32, #tpu.memory_space<hbm>> -> memref<256x128xf32, #tpu.memory_space<hbm>>
      %dma_start3A_43 = arith.constant 0 : i32
      %dma_start3A_44 = tpu.memref_slice %arg4[%mul3A_40, %dma_start3A_43] : memref<8192x128xf32, #tpu.memory_space<hbm>> -> memref<256x128xf32, #tpu.memory_space<hbm>>
      tpu.enqueue_dma source(%arg6 : memref<256x128xf32, #tpu.memory_space<vmem>>) target(%dma_start3A_44 : memref<256x128xf32, #tpu.memory_space<hbm>>) target_semaphore(%run_scoped3A : memref<!tpu.dma_semaphore, #tpu.memory_space<semaphore_mem>>)
      %dma_wait3A_45 = arith.constant 0 : i32
      %dma_wait3A_46 = tpu.memref_slice %arg4[%mul3A_40, %dma_wait3A_45] : memref<8192x128xf32, #tpu.memory_space<hbm>> -> memref<256x128xf32, #tpu.memory_space<hbm>>
      %dma_wait3A_47 = arith.constant 0 : i32
      %dma_wait3A_48 = tpu.memref_slice %arg4[%mul3A_40, %dma_wait3A_47] : memref<8192x128xf32, #tpu.memory_space<hbm>> -> memref<256x128xf32, #tpu.memory_space<hbm>>
      tpu.wait_dma2 semaphore(%run_scoped3A : memref<!tpu.dma_semaphore, #tpu.memory_space<semaphore_mem>>) src(%arg6 : memref<256x128xf32, #tpu.memory_space<vmem>>) dst(%dma_wait3A_48 : memref<256x128xf32, #tpu.memory_space<hbm>>)
      tpu.yield
    }) : () -> ()
    return
  }
}

#map = affine_map<(d0, d1) -> (0, 0)>
module attributes {stable_mosaic.version = 14 : i64} {
  func.func @_gather_sup_body(%arg0: i32, %arg1: i32, %arg2: memref<106496x128xf32, #tpu.memory_space<hbm>>, %arg3: memref<32x16xi32, #tpu.memory_space<hbm>>, %arg4: memref<512x128xf32, #tpu.memory_space<hbm>>, %arg5: memref<16xi32, #tpu.memory_space<vmem>>, %arg6: memref<16x128xf32, #tpu.memory_space<vmem>>, %arg7: memref<!tpu.dma_semaphore, #tpu.memory_space<semaphore_mem>>) attributes {dimension_semantics = [#tpu.dimension_semantics<core_parallel>, #tpu.dimension_semantics<subcore_parallel>], iteration_bounds = array<i64: 2, 16>, scalar_prefetch = 0 : i64, scratch_operands = 3 : i64, tpu.core_type = #tpu.core_type<sc_vector_subcore>, window_params = [{transform_indices = #map}, {transform_indices = #map}, {transform_indices = #map}]} {
    %mul3A = arith.constant 2 : i32
    %mul3A_0 = arith.muli %arg1, %mul3A : i32
    %add3A = arith.addi %mul3A_0, %arg0 : i32
    "tpu.region"() ({
      %run_scoped3A = tpu.sem_alloc : memref<!tpu.dma_semaphore, #tpu.memory_space<semaphore_mem>>
      %dma_start3A_7 = arith.constant 0 : i32
      %dma_start3A_8 = tpu.memref_slice %arg3[%add3A, %dma_start3A_7] : memref<32x16xi32, #tpu.memory_space<hbm>> -> memref<1x16xi32, #tpu.memory_space<hbm>>
      %dma_start3A_9 = tpu.memref_squeeze %dma_start3A_8 : memref<1x16xi32, #tpu.memory_space<hbm>> -> memref<16xi32, #tpu.memory_space<hbm>>
      %dma_start3A_10 = arith.constant 0 : i32
      %dma_start3A_11 = tpu.memref_slice %arg3[%add3A, %dma_start3A_10] : memref<32x16xi32, #tpu.memory_space<hbm>> -> memref<1x16xi32, #tpu.memory_space<hbm>>
      %dma_start3A_12 = tpu.memref_squeeze %dma_start3A_11 : memref<1x16xi32, #tpu.memory_space<hbm>> -> memref<16xi32, #tpu.memory_space<hbm>>
      tpu.enqueue_dma source(%dma_start3A_12 : memref<16xi32, #tpu.memory_space<hbm>>) target(%arg5 : memref<16xi32, #tpu.memory_space<vmem>>) target_semaphore(%run_scoped3A : memref<!tpu.dma_semaphore, #tpu.memory_space<semaphore_mem>>)
      %dma_wait3A_13 = arith.constant 0 : i32
      %dma_wait3A_14 = tpu.memref_slice %arg3[%add3A, %dma_wait3A_13] : memref<32x16xi32, #tpu.memory_space<hbm>> -> memref<1x16xi32, #tpu.memory_space<hbm>>
      %dma_wait3A_15 = tpu.memref_squeeze %dma_wait3A_14 : memref<1x16xi32, #tpu.memory_space<hbm>> -> memref<16xi32, #tpu.memory_space<hbm>>
      %dma_wait3A_16 = arith.constant 0 : i32
      %dma_wait3A_17 = tpu.memref_slice %arg3[%add3A, %dma_wait3A_16] : memref<32x16xi32, #tpu.memory_space<hbm>> -> memref<1x16xi32, #tpu.memory_space<hbm>>
      %dma_wait3A_18 = tpu.memref_squeeze %dma_wait3A_17 : memref<1x16xi32, #tpu.memory_space<hbm>> -> memref<16xi32, #tpu.memory_space<hbm>>
      tpu.wait_dma2 semaphore(%run_scoped3A : memref<!tpu.dma_semaphore, #tpu.memory_space<semaphore_mem>>) src(%dma_wait3A_18 : memref<16xi32, #tpu.memory_space<hbm>>) dst(%arg5 : memref<16xi32, #tpu.memory_space<vmem>>)
      tpu.yield
    }) : () -> ()
    %dma_start3A = arith.constant 0 : i32
    %dma_start3A_1 = arith.constant 0 : i32
    %dma_start3A_2 = tpu.memref_slice %arg2[%dma_start3A, %dma_start3A_1] : memref<106496x128xf32, #tpu.memory_space<hbm>> -> memref<106496x128xf32, #tpu.memory_space<hbm>>
    tpu.enqueue_indirect_dma source(%dma_start3A_2 : memref<106496x128xf32, #tpu.memory_space<hbm>>) target(%arg6 : memref<16x128xf32, #tpu.memory_space<vmem>>) offsets(%arg5 : memref<16xi32, #tpu.memory_space<vmem>>) semaphore(%arg7 : memref<!tpu.dma_semaphore, #tpu.memory_space<semaphore_mem>>)
    %dma_wait3A = arith.constant 0 : i32
    %dma_wait3A_3 = arith.constant 0 : i32
    %dma_wait3A_4 = tpu.memref_slice %arg2[%dma_wait3A, %dma_wait3A_3] : memref<106496x128xf32, #tpu.memory_space<hbm>> -> memref<106496x128xf32, #tpu.memory_space<hbm>>
    tpu.wait_indirect_dma semaphore(%arg7 : memref<!tpu.dma_semaphore, #tpu.memory_space<semaphore_mem>>) src(%dma_wait3A_4 : memref<106496x128xf32, #tpu.memory_space<hbm>>) dst(%arg6 : memref<16x128xf32, #tpu.memory_space<vmem>>)
    %mul3A_5 = arith.constant 16 : i32
    %mul3A_6 = arith.muli %add3A, %mul3A_5 : i32
    "tpu.region"() ({
      %run_scoped3A = tpu.sem_alloc : memref<!tpu.dma_semaphore, #tpu.memory_space<semaphore_mem>>
      %dma_start3A_7 = arith.constant 0 : i32
      %dma_start3A_8 = tpu.memref_slice %arg4[%mul3A_6, %dma_start3A_7] : memref<512x128xf32, #tpu.memory_space<hbm>> -> memref<16x128xf32, #tpu.memory_space<hbm>>
      %dma_start3A_9 = arith.constant 0 : i32
      %dma_start3A_10 = tpu.memref_slice %arg4[%mul3A_6, %dma_start3A_9] : memref<512x128xf32, #tpu.memory_space<hbm>> -> memref<16x128xf32, #tpu.memory_space<hbm>>
      tpu.enqueue_dma source(%arg6 : memref<16x128xf32, #tpu.memory_space<vmem>>) target(%dma_start3A_10 : memref<16x128xf32, #tpu.memory_space<hbm>>) target_semaphore(%run_scoped3A : memref<!tpu.dma_semaphore, #tpu.memory_space<semaphore_mem>>)
      %dma_wait3A_11 = arith.constant 0 : i32
      %dma_wait3A_12 = tpu.memref_slice %arg4[%mul3A_6, %dma_wait3A_11] : memref<512x128xf32, #tpu.memory_space<hbm>> -> memref<16x128xf32, #tpu.memory_space<hbm>>
      %dma_wait3A_13 = arith.constant 0 : i32
      %dma_wait3A_14 = tpu.memref_slice %arg4[%mul3A_6, %dma_wait3A_13] : memref<512x128xf32, #tpu.memory_space<hbm>> -> memref<16x128xf32, #tpu.memory_space<hbm>>
      tpu.wait_dma2 semaphore(%run_scoped3A : memref<!tpu.dma_semaphore, #tpu.memory_space<semaphore_mem>>) src(%arg6 : memref<16x128xf32, #tpu.memory_space<vmem>>) dst(%dma_wait3A_14 : memref<16x128xf32, #tpu.memory_space<hbm>>)
      tpu.yield
    }) : () -> ()
    return
  }
}

#map = affine_map<(d0, d1) -> (0, 0)>
#map1 = affine_map<(d0, d1) -> (0, 0, 0)>
module attributes {stable_mosaic.version = 14 : i64} {
  func.func @_gather_body(%arg0: i32, %arg1: i32, %arg2: memref<106496x128xf32, #tpu.memory_space<hbm>>, %arg3: memref<32x2x128xi32, #tpu.memory_space<hbm>>, %arg4: memref<8192x128xf32, #tpu.memory_space<hbm>>, %arg5: memref<2x128xi32, #tpu.memory_space<vmem>>, %arg6: memref<256x128xf32, #tpu.memory_space<vmem>>, %arg7: memref<!tpu.dma_semaphore, #tpu.memory_space<semaphore_mem>>) attributes {dimension_semantics = [#tpu.dimension_semantics<core_parallel>, #tpu.dimension_semantics<subcore_parallel>], iteration_bounds = array<i64: 2, 16>, scalar_prefetch = 0 : i64, scratch_operands = 3 : i64, tpu.core_type = #tpu.core_type<sc_vector_subcore>, window_params = [{transform_indices = #map}, {transform_indices = #map1}, {transform_indices = #map}]} {
    %mul3A = arith.constant 2 : i32
    %mul3A_0 = arith.muli %arg1, %mul3A : i32
    %add3A = arith.addi %mul3A_0, %arg0 : i32
    "tpu.region"() ({
      %run_scoped3A = tpu.sem_alloc : memref<!tpu.dma_semaphore, #tpu.memory_space<semaphore_mem>>
      %dma_start3A_41 = arith.constant 0 : i32
      %dma_start3A_42 = arith.constant 0 : i32
      %dma_start3A_43 = tpu.memref_slice %arg3[%add3A, %dma_start3A_41, %dma_start3A_42] : memref<32x2x128xi32, #tpu.memory_space<hbm>> -> memref<1x2x128xi32, #tpu.memory_space<hbm>>
      %dma_start3A_44 = tpu.memref_squeeze %dma_start3A_43 : memref<1x2x128xi32, #tpu.memory_space<hbm>> -> memref<2x128xi32, #tpu.memory_space<hbm>>
      %dma_start3A_45 = arith.constant 0 : i32
      %dma_start3A_46 = arith.constant 0 : i32
      %dma_start3A_47 = tpu.memref_slice %arg3[%add3A, %dma_start3A_45, %dma_start3A_46] : memref<32x2x128xi32, #tpu.memory_space<hbm>> -> memref<1x2x128xi32, #tpu.memory_space<hbm>>
      %dma_start3A_48 = tpu.memref_squeeze %dma_start3A_47 : memref<1x2x128xi32, #tpu.memory_space<hbm>> -> memref<2x128xi32, #tpu.memory_space<hbm>>
      tpu.enqueue_dma source(%dma_start3A_48 : memref<2x128xi32, #tpu.memory_space<hbm>>) target(%arg5 : memref<2x128xi32, #tpu.memory_space<vmem>>) target_semaphore(%run_scoped3A : memref<!tpu.dma_semaphore, #tpu.memory_space<semaphore_mem>>)
      %dma_wait3A_49 = arith.constant 0 : i32
      %dma_wait3A_50 = arith.constant 0 : i32
      %dma_wait3A_51 = tpu.memref_slice %arg3[%add3A, %dma_wait3A_49, %dma_wait3A_50] : memref<32x2x128xi32, #tpu.memory_space<hbm>> -> memref<1x2x128xi32, #tpu.memory_space<hbm>>
      %dma_wait3A_52 = tpu.memref_squeeze %dma_wait3A_51 : memref<1x2x128xi32, #tpu.memory_space<hbm>> -> memref<2x128xi32, #tpu.memory_space<hbm>>
      %dma_wait3A_53 = arith.constant 0 : i32
      %dma_wait3A_54 = arith.constant 0 : i32
      %dma_wait3A_55 = tpu.memref_slice %arg3[%add3A, %dma_wait3A_53, %dma_wait3A_54] : memref<32x2x128xi32, #tpu.memory_space<hbm>> -> memref<1x2x128xi32, #tpu.memory_space<hbm>>
      %dma_wait3A_56 = tpu.memref_squeeze %dma_wait3A_55 : memref<1x2x128xi32, #tpu.memory_space<hbm>> -> memref<2x128xi32, #tpu.memory_space<hbm>>
      tpu.wait_dma2 semaphore(%run_scoped3A : memref<!tpu.dma_semaphore, #tpu.memory_space<semaphore_mem>>) src(%dma_wait3A_56 : memref<2x128xi32, #tpu.memory_space<hbm>>) dst(%arg5 : memref<2x128xi32, #tpu.memory_space<vmem>>)
      tpu.yield
    }) : () -> ()
    %dma_start3A = arith.constant 0 : i32
    %dma_start3A_1 = arith.constant 0 : i32
    %dma_start3A_2 = arith.constant 0 : i32
    %dma_start3A_3 = tpu.memref_slice %arg6[%dma_start3A_1, %dma_start3A_2] : memref<256x128xf32, #tpu.memory_space<vmem>> -> memref<128x128xf32, #tpu.memory_space<vmem>>
    %dma_start3A_4 = arith.constant 0 : i32
    %dma_start3A_5 = tpu.memref_slice %arg5[%dma_start3A, %dma_start3A_4] : memref<2x128xi32, #tpu.memory_space<vmem>> -> memref<1x128xi32, #tpu.memory_space<vmem>>
    %dma_start3A_6 = tpu.memref_squeeze %dma_start3A_5 : memref<1x128xi32, #tpu.memory_space<vmem>> -> memref<128xi32, #tpu.memory_space<vmem>>
    %dma_start3A_7 = arith.constant 0 : i32
    %dma_start3A_8 = arith.constant 0 : i32
    %dma_start3A_9 = tpu.memref_slice %arg2[%dma_start3A_7, %dma_start3A_8] : memref<106496x128xf32, #tpu.memory_space<hbm>> -> memref<106496x128xf32, #tpu.memory_space<hbm>>
    tpu.enqueue_indirect_dma source(%dma_start3A_9 : memref<106496x128xf32, #tpu.memory_space<hbm>>) target(%dma_start3A_3 : memref<128x128xf32, #tpu.memory_space<vmem>>) offsets(%dma_start3A_6 : memref<128xi32, #tpu.memory_space<vmem>>) semaphore(%arg7 : memref<!tpu.dma_semaphore, #tpu.memory_space<semaphore_mem>>)
    %dma_start3A_10 = arith.constant 1 : i32
    %dma_start3A_11 = arith.constant 128 : i32
    %dma_start3A_12 = arith.constant 0 : i32
    %dma_start3A_13 = tpu.memref_slice %arg6[%dma_start3A_11, %dma_start3A_12] : memref<256x128xf32, #tpu.memory_space<vmem>> -> memref<128x128xf32, #tpu.memory_space<vmem>>
    %dma_start3A_14 = arith.constant 0 : i32
    %dma_start3A_15 = tpu.memref_slice %arg5[%dma_start3A_10, %dma_start3A_14] : memref<2x128xi32, #tpu.memory_space<vmem>> -> memref<1x128xi32, #tpu.memory_space<vmem>>
    %dma_start3A_16 = tpu.memref_squeeze %dma_start3A_15 : memref<1x128xi32, #tpu.memory_space<vmem>> -> memref<128xi32, #tpu.memory_space<vmem>>
    %dma_start3A_17 = arith.constant 0 : i32
    %dma_start3A_18 = arith.constant 0 : i32
    %dma_start3A_19 = tpu.memref_slice %arg2[%dma_start3A_17, %dma_start3A_18] : memref<106496x128xf32, #tpu.memory_space<hbm>> -> memref<106496x128xf32, #tpu.memory_space<hbm>>
    tpu.enqueue_indirect_dma source(%dma_start3A_19 : memref<106496x128xf32, #tpu.memory_space<hbm>>) target(%dma_start3A_13 : memref<128x128xf32, #tpu.memory_space<vmem>>) offsets(%dma_start3A_16 : memref<128xi32, #tpu.memory_space<vmem>>) semaphore(%arg7 : memref<!tpu.dma_semaphore, #tpu.memory_space<semaphore_mem>>)
    %dma_wait3A = arith.constant 0 : i32
    %dma_wait3A_20 = arith.constant 0 : i32
    %dma_wait3A_21 = arith.constant 0 : i32
    %dma_wait3A_22 = tpu.memref_slice %arg6[%dma_wait3A_20, %dma_wait3A_21] : memref<256x128xf32, #tpu.memory_space<vmem>> -> memref<128x128xf32, #tpu.memory_space<vmem>>
    %dma_wait3A_23 = arith.constant 0 : i32
    %dma_wait3A_24 = tpu.memref_slice %arg5[%dma_wait3A, %dma_wait3A_23] : memref<2x128xi32, #tpu.memory_space<vmem>> -> memref<1x128xi32, #tpu.memory_space<vmem>>
    %dma_wait3A_25 = tpu.memref_squeeze %dma_wait3A_24 : memref<1x128xi32, #tpu.memory_space<vmem>> -> memref<128xi32, #tpu.memory_space<vmem>>
    %dma_wait3A_26 = arith.constant 0 : i32
    %dma_wait3A_27 = arith.constant 0 : i32
    %dma_wait3A_28 = tpu.memref_slice %arg2[%dma_wait3A_26, %dma_wait3A_27] : memref<106496x128xf32, #tpu.memory_space<hbm>> -> memref<106496x128xf32, #tpu.memory_space<hbm>>
    tpu.wait_indirect_dma semaphore(%arg7 : memref<!tpu.dma_semaphore, #tpu.memory_space<semaphore_mem>>) src(%dma_wait3A_28 : memref<106496x128xf32, #tpu.memory_space<hbm>>) dst(%dma_wait3A_22 : memref<128x128xf32, #tpu.memory_space<vmem>>)
    %dma_wait3A_29 = arith.constant 1 : i32
    %dma_wait3A_30 = arith.constant 128 : i32
    %dma_wait3A_31 = arith.constant 0 : i32
    %dma_wait3A_32 = tpu.memref_slice %arg6[%dma_wait3A_30, %dma_wait3A_31] : memref<256x128xf32, #tpu.memory_space<vmem>> -> memref<128x128xf32, #tpu.memory_space<vmem>>
    %dma_wait3A_33 = arith.constant 0 : i32
    %dma_wait3A_34 = tpu.memref_slice %arg5[%dma_wait3A_29, %dma_wait3A_33] : memref<2x128xi32, #tpu.memory_space<vmem>> -> memref<1x128xi32, #tpu.memory_space<vmem>>
    %dma_wait3A_35 = tpu.memref_squeeze %dma_wait3A_34 : memref<1x128xi32, #tpu.memory_space<vmem>> -> memref<128xi32, #tpu.memory_space<vmem>>
    %dma_wait3A_36 = arith.constant 0 : i32
    %dma_wait3A_37 = arith.constant 0 : i32
    %dma_wait3A_38 = tpu.memref_slice %arg2[%dma_wait3A_36, %dma_wait3A_37] : memref<106496x128xf32, #tpu.memory_space<hbm>> -> memref<106496x128xf32, #tpu.memory_space<hbm>>
    tpu.wait_indirect_dma semaphore(%arg7 : memref<!tpu.dma_semaphore, #tpu.memory_space<semaphore_mem>>) src(%dma_wait3A_38 : memref<106496x128xf32, #tpu.memory_space<hbm>>) dst(%dma_wait3A_32 : memref<128x128xf32, #tpu.memory_space<vmem>>)
    %mul3A_39 = arith.constant 256 : i32
    %mul3A_40 = arith.muli %add3A, %mul3A_39 : i32
    "tpu.region"() ({
      %run_scoped3A = tpu.sem_alloc : memref<!tpu.dma_semaphore, #tpu.memory_space<semaphore_mem>>
      %dma_start3A_41 = arith.constant 0 : i32
      %dma_start3A_42 = tpu.memref_slice %arg4[%mul3A_40, %dma_start3A_41] : memref<8192x128xf32, #tpu.memory_space<hbm>> -> memref<256x128xf32, #tpu.memory_space<hbm>>
      %dma_start3A_43 = arith.constant 0 : i32
      %dma_start3A_44 = tpu.memref_slice %arg4[%mul3A_40, %dma_start3A_43] : memref<8192x128xf32, #tpu.memory_space<hbm>> -> memref<256x128xf32, #tpu.memory_space<hbm>>
      tpu.enqueue_dma source(%arg6 : memref<256x128xf32, #tpu.memory_space<vmem>>) target(%dma_start3A_44 : memref<256x128xf32, #tpu.memory_space<hbm>>) target_semaphore(%run_scoped3A : memref<!tpu.dma_semaphore, #tpu.memory_space<semaphore_mem>>)
      %dma_wait3A_45 = arith.constant 0 : i32
      %dma_wait3A_46 = tpu.memref_slice %arg4[%mul3A_40, %dma_wait3A_45] : memref<8192x128xf32, #tpu.memory_space<hbm>> -> memref<256x128xf32, #tpu.memory_space<hbm>>
      %dma_wait3A_47 = arith.constant 0 : i32
      %dma_wait3A_48 = tpu.memref_slice %arg4[%mul3A_40, %dma_wait3A_47] : memref<8192x128xf32, #tpu.memory_space<hbm>> -> memref<256x128xf32, #tpu.memory_space<hbm>>
      tpu.wait_dma2 semaphore(%run_scoped3A : memref<!tpu.dma_semaphore, #tpu.memory_space<semaphore_mem>>) src(%arg6 : memref<256x128xf32, #tpu.memory_space<vmem>>) dst(%dma_wait3A_48 : memref<256x128xf32, #tpu.memory_space<hbm>>)
      tpu.yield
    }) : () -> ()
    return
  }
}

module attributes {stable_mosaic.version = 14 : i64} {
  func.func @_restage_body(%arg0: i32, %arg1: memref<64x8192xf32, #tpu.memory_space<vmem>>, %arg2: memref<8192x128xf32, #tpu.memory_space<vmem>>) attributes {dimension_semantics = [#tpu.dimension_semantics<arbitrary>], iteration_bounds = array<i64: 13>, scalar_prefetch = 0 : i64, scratch_operands = 0 : i64, tpu.core_type = #tpu.core_type<tc>, window_params = [{transform_indices = @transform_0, window_bounds = array<i64: 64, 8192>}, {transform_indices = @transform_1, window_bounds = array<i64: 8192, 128>}]} {
    %get3A = arith.constant 0 : index
    %get3A_0 = arith.constant 0 : index
    %get3A_1 = vector.load %arg1[%get3A, %get3A_0] : memref<64x8192xf32, #tpu.memory_space<vmem>>, vector<64x8192xf32>
    %transpose3A = tpu.transpose %get3A_1, [1, 0] : vector<64x8192xf32> -> vector<8192x64xf32>
    %swap3A = arith.constant 0 : index
    %swap3A_2 = arith.constant 0 : index
    %swap3A_3 = vector.load %arg2[%swap3A, %swap3A_2] : memref<8192x128xf32, #tpu.memory_space<vmem>>, vector<8192x64xf32>
    tpu.vector_store %arg2[%swap3A, %swap3A_2], %transpose3A {strides = array<i32>} : memref<8192x128xf32, #tpu.memory_space<vmem>>, vector<8192x64xf32>,
    %broadcast_in_dim3A = arith.constant 0.000000e+00 : f32
    %broadcast_in_dim3A_4 = vector.broadcast %broadcast_in_dim3A : f32 to vector<8192x64xf32>
    %swap3A_5 = arith.constant 0 : index
    %swap3A_6 = arith.constant 64 : index
    %swap3A_7 = vector.load %arg2[%swap3A_5, %swap3A_6] : memref<8192x128xf32, #tpu.memory_space<vmem>>, vector<8192x64xf32>
    tpu.vector_store %arg2[%swap3A_5, %swap3A_6], %broadcast_in_dim3A_4 {strides = array<i32>} : memref<8192x128xf32, #tpu.memory_space<vmem>>, vector<8192x64xf32>,
    return
  }
  func.func @transform_0(%arg0: i32) -> (i32, i32) {
    %c0_i32 = arith.constant 0 : i32
    %c0_i32_0 = arith.constant 0 : i32
    return %c0_i32, %arg0 : i32, i32
  }
  func.func @transform_1(%arg0: i32) -> (i32, i32) {
    %c0_i32 = arith.constant 0 : i32
    %c0_i32_0 = arith.constant 0 : i32
    return %arg0, %c0_i32 : i32, i32
  }
}

module attributes {stable_mosaic.version = 14 : i64} {
  func.func @_support_body(%arg0: memref<512x128xf32, #tpu.memory_space<vmem>>, %arg1: memref<128x64xf32, #tpu.memory_space<vmem>>, %arg2: memref<1x64xf32, #tpu.memory_space<vmem>>, %arg3: memref<64x128xf32, #tpu.memory_space<vmem>>, %arg4: memref<1x128xf32, #tpu.memory_space<vmem>>, %arg5: memref<128x64xf32, #tpu.memory_space<vmem>>, %arg6: memref<1x64xf32, #tpu.memory_space<vmem>>, %arg7: memref<1x64xf32, #tpu.memory_space<vmem>>, %arg8: memref<1x64xf32, #tpu.memory_space<vmem>>, %arg9: memref<64x512xf32, #tpu.memory_space<vmem>>, %arg10: memref<1x512xf32, #tpu.memory_space<vmem>>, %arg11: memref<1x64xf32, #tpu.memory_space<vmem>>, %arg12: memref<1x512xf32, #tpu.memory_space<vmem>>) attributes {dimension_semantics = [], scalar_prefetch = 0 : i64, scratch_operands = 0 : i64, tpu.core_type = #tpu.core_type<tc>} {
    %get3A = arith.constant 0 : index
    %get3A_0 = arith.constant 0 : index
    %get3A_1 = vector.load %arg0[%get3A, %get3A_0] : memref<512x128xf32, #tpu.memory_space<vmem>>, vector<512x64xf32>
    %slice3A = vector.extract_strided_slice %get3A_1 {offsets = [0, 0], sizes = [200, 64], strides = [1, 1]} : vector<512x64xf32> to vector<200x64xf32>
    %get3A_2 = arith.constant 0 : index
    %get3A_3 = arith.constant 0 : index
    %get3A_4 = vector.load %arg1[%get3A_2, %get3A_3] : memref<128x64xf32, #tpu.memory_space<vmem>>, vector<64x64xf32>
    %convert_element_type3A = arith.truncf %slice3A : vector<200x64xf32> to vector<200x64xbf16>
    %convert_element_type3A_5 = arith.truncf %get3A_4 : vector<64x64xf32> to vector<64x64xbf16>
    %dot_general3A = arith.constant dense<0.000000e+00> : vector<200x64xf32>
    %dot_general3A_6 = tpu.matmul %convert_element_type3A, %convert_element_type3A_5, %dot_general3A {dimension_numbers = #tpu.dot_dimension_numbers<[1], [0], [0], [1], [0, 0, 1, 1], [], []>, transpose_lhs_hint = false} : vector<200x64xbf16>, vector<64x64xbf16>, vector<200x64xf32> -> vector<200x64xf32>
    %slice3A_7 = vector.extract_strided_slice %get3A_1 {offsets = [200, 0], sizes = [200, 64], strides = [1, 1]} : vector<512x64xf32> to vector<200x64xf32>
    %get3A_8 = arith.constant 64 : index
    %get3A_9 = arith.constant 0 : index
    %get3A_10 = vector.load %arg1[%get3A_8, %get3A_9] : memref<128x64xf32, #tpu.memory_space<vmem>>, vector<64x64xf32>
    %convert_element_type3A_11 = arith.truncf %slice3A_7 : vector<200x64xf32> to vector<200x64xbf16>
    %convert_element_type3A_12 = arith.truncf %get3A_10 : vector<64x64xf32> to vector<64x64xbf16>
    %dot_general3A_13 = arith.constant dense<0.000000e+00> : vector<200x64xf32>
    %dot_general3A_14 = tpu.matmul %convert_element_type3A_11, %convert_element_type3A_12, %dot_general3A_13 {dimension_numbers = #tpu.dot_dimension_numbers<[1], [0], [0], [1], [0, 0, 1, 1], [], []>, transpose_lhs_hint = false} : vector<200x64xbf16>, vector<64x64xbf16>, vector<200x64xf32> -> vector<200x64xf32>
    %add3A = arith.addf %dot_general3A_6, %dot_general3A_14 : vector<200x64xf32>
    %reduce_sum3A = arith.constant dense<0.000000e+00> : vector<64xf32>
    %reduce_sum3A_15 = vector.multi_reduction <add>, %add3A, %reduce_sum3A [0] : vector<200x64xf32> to vector<64xf32>
    %broadcast_in_dim3A = vector.shape_cast %reduce_sum3A_15 : vector<64xf32> to vector<1x64xf32>
    %get3A_16 = arith.constant 0 : index
    %get3A_17 = arith.constant 0 : index
    %get3A_18 = vector.load %arg2[%get3A_16, %get3A_17] : memref<1x64xf32, #tpu.memory_space<vmem>>, vector<1x64xf32>
    %mul3A = arith.constant 2.000000e+02 : f32
    %mul3A_19 = vector.broadcast %mul3A : f32 to vector<1x64xf32>
    %mul3A_20 = arith.mulf %mul3A_19, %get3A_18 : vector<1x64xf32>
    %add3A_21 = arith.addf %broadcast_in_dim3A, %mul3A_20 : vector<1x64xf32>
    %tanh3A = math.tanh %add3A_21 : vector<1x64xf32>
    %get3A_22 = arith.constant 0 : index
    %get3A_23 = arith.constant 0 : index
    %get3A_24 = vector.load %arg3[%get3A_22, %get3A_23] : memref<64x128xf32, #tpu.memory_space<vmem>>, vector<64x128xf32>
    %convert_element_type3A_25 = arith.truncf %tanh3A : vector<1x64xf32> to vector<1x64xbf16>
    %convert_element_type3A_26 = arith.truncf %get3A_24 : vector<64x128xf32> to vector<64x128xbf16>
    %dot_general3A_27 = arith.constant dense<0.000000e+00> : vector<1x128xf32>
    %dot_general3A_28 = tpu.matmul %convert_element_type3A_25, %convert_element_type3A_26, %dot_general3A_27 {dimension_numbers = #tpu.dot_dimension_numbers<[1], [0], [0], [1], [0, 0, 1, 1], [], []>, transpose_lhs_hint = false} : vector<1x64xbf16>, vector<64x128xbf16>, vector<1x128xf32> -> vector<1x128xf32>
    %get3A_29 = arith.constant 0 : index
    %get3A_30 = arith.constant 0 : index
    %get3A_31 = vector.load %arg4[%get3A_29, %get3A_30] : memref<1x128xf32, #tpu.memory_space<vmem>>, vector<1x128xf32>
    %add3A_32 = arith.addf %dot_general3A_28, %get3A_31 : vector<1x128xf32>
    %max3A = arith.constant 0.000000e+00 : f32
    %max3A_33 = vector.broadcast %max3A : f32 to vector<1x128xf32>
    %max3A_34 = arith.maximumf %add3A_32, %max3A_33 : vector<1x128xf32>
    %get3A_35 = arith.constant 0 : index
    %get3A_36 = arith.constant 0 : index
    %get3A_37 = vector.load %arg5[%get3A_35, %get3A_36] : memref<128x64xf32, #tpu.memory_space<vmem>>, vector<128x64xf32>
    %convert_element_type3A_38 = arith.truncf %max3A_34 : vector<1x128xf32> to vector<1x128xbf16>
    %convert_element_type3A_39 = arith.truncf %get3A_37 : vector<128x64xf32> to vector<128x64xbf16>
    %dot_general3A_40 = arith.constant dense<0.000000e+00> : vector<1x64xf32>
    %dot_general3A_41 = tpu.matmul %convert_element_type3A_38, %convert_element_type3A_39, %dot_general3A_40 {dimension_numbers = #tpu.dot_dimension_numbers<[1], [0], [0], [1], [0, 0, 1, 1], [], []>, transpose_lhs_hint = false} : vector<1x128xbf16>, vector<128x64xbf16>, vector<1x64xf32> -> vector<1x64xf32>
    %get3A_42 = arith.constant 0 : index
    %get3A_43 = arith.constant 0 : index
    %get3A_44 = vector.load %arg6[%get3A_42, %get3A_43] : memref<1x64xf32, #tpu.memory_space<vmem>>, vector<1x64xf32>
    %add3A_45 = arith.addf %dot_general3A_41, %get3A_44 : vector<1x64xf32>
    %add3A_46 = arith.addf %add3A_45, %tanh3A : vector<1x64xf32>
    %reduce_sum3A_47 = arith.constant dense<0.000000e+00> : vector<1xf32>
    %reduce_sum3A_48 = vector.multi_reduction <add>, %add3A_46, %reduce_sum3A_47 [1] : vector<1x64xf32> to vector<1xf32>
    %broadcast_in_dim3A_49 = vector.shape_cast %reduce_sum3A_48 : vector<1xf32> to vector<1x1xf32>
    %div3A = arith.constant 6.400000e+01 : f32
    %div3A_50 = vector.broadcast %div3A : f32 to vector<1x1xf32>
    %div3A_51 = arith.divf %broadcast_in_dim3A_49, %div3A_50 : vector<1x1xf32>
    %sub3A = vector.broadcast %div3A_51 : vector<1x1xf32> to vector<1x64xf32>
    %sub3A_52 = arith.subf %add3A_46, %sub3A : vector<1x64xf32>
    %mul3A_53 = arith.mulf %sub3A_52, %sub3A_52 : vector<1x64xf32>
    %reduce_sum3A_54 = arith.constant dense<0.000000e+00> : vector<1xf32>
    %reduce_sum3A_55 = vector.multi_reduction <add>, %mul3A_53, %reduce_sum3A_54 [1] : vector<1x64xf32> to vector<1xf32>
    %broadcast_in_dim3A_56 = vector.shape_cast %reduce_sum3A_55 : vector<1xf32> to vector<1x1xf32>
    %div3A_57 = arith.constant 6.300000e+01 : f32
    %div3A_58 = vector.broadcast %div3A_57 : f32 to vector<1x1xf32>
    %div3A_59 = arith.divf %broadcast_in_dim3A_56, %div3A_58 : vector<1x1xf32>
    %sqrt3A = math.sqrt %div3A_59 : vector<1x1xf32>
    %get3A_60 = arith.constant 0 : index
    %get3A_61 = arith.constant 0 : index
    %get3A_62 = vector.load %arg7[%get3A_60, %get3A_61] : memref<1x64xf32, #tpu.memory_space<vmem>>, vector<1x64xf32>
    %mul3A_63 = arith.mulf %get3A_62, %sub3A_52 : vector<1x64xf32>
    %add3A_64 = arith.constant 9.99999997E-7 : f32
    %add3A_65 = vector.broadcast %add3A_64 : f32 to vector<1x1xf32>
    %add3A_66 = arith.addf %sqrt3A, %add3A_65 : vector<1x1xf32>
    %div3A_67 = vector.broadcast %add3A_66 : vector<1x1xf32> to vector<1x64xf32>
    %div3A_68 = arith.divf %mul3A_63, %div3A_67 : vector<1x64xf32>
    %get3A_69 = arith.constant 0 : index
    %get3A_70 = arith.constant 0 : index
    %get3A_71 = vector.load %arg8[%get3A_69, %get3A_70] : memref<1x64xf32, #tpu.memory_space<vmem>>, vector<1x64xf32>
    %add3A_72 = arith.addf %div3A_68, %get3A_71 : vector<1x64xf32>
    %swap3A = arith.constant 0 : index
    %swap3A_73 = arith.constant 0 : index
    %swap3A_74 = vector.load %arg11[%swap3A, %swap3A_73] : memref<1x64xf32, #tpu.memory_space<vmem>>, vector<1x64xf32>
    tpu.vector_store %arg11[%swap3A, %swap3A_73], %add3A_72 {strides = array<i32>} : memref<1x64xf32, #tpu.memory_space<vmem>>, vector<1x64xf32>,
    %get3A_75 = arith.constant 0 : index
    %get3A_76 = arith.constant 0 : index
    %get3A_77 = vector.load %arg9[%get3A_75, %get3A_76] : memref<64x512xf32, #tpu.memory_space<vmem>>, vector<64x512xf32>
    %convert_element_type3A_78 = arith.truncf %add3A_72 : vector<1x64xf32> to vector<1x64xbf16>
    %convert_element_type3A_79 = arith.truncf %get3A_77 : vector<64x512xf32> to vector<64x512xbf16>
    %dot_general3A_80 = arith.constant dense<0.000000e+00> : vector<1x512xf32>
    %dot_general3A_81 = tpu.matmul %convert_element_type3A_78, %convert_element_type3A_79, %dot_general3A_80 {dimension_numbers = #tpu.dot_dimension_numbers<[1], [0], [0], [1], [0, 0, 1, 1], [], []>, transpose_lhs_hint = false} : vector<1x64xbf16>, vector<64x512xbf16>, vector<1x512xf32> -> vector<1x512xf32>
    %get3A_82 = arith.constant 0 : index
    %get3A_83 = arith.constant 0 : index
    %get3A_84 = vector.load %arg10[%get3A_82, %get3A_83] : memref<1x512xf32, #tpu.memory_space<vmem>>, vector<1x512xf32>
    %add3A_85 = arith.addf %dot_general3A_81, %get3A_84 : vector<1x512xf32>
    %swap3A_86 = arith.constant 0 : index
    %swap3A_87 = arith.constant 0 : index
    %swap3A_88 = vector.load %arg12[%swap3A_86, %swap3A_87] : memref<1x512xf32, #tpu.memory_space<vmem>>, vector<1x512xf32>
    tpu.vector_store %arg12[%swap3A_86, %swap3A_87], %add3A_85 {strides = array<i32>} : memref<1x512xf32, #tpu.memory_space<vmem>>, vector<1x512xf32>,
    return
  }
}

module attributes {stable_mosaic.version = 14 : i64} {
  func.func @_dense_body(%arg0: i32, %arg1: memref<2048x128xf32, #tpu.memory_space<vmem>>, %arg2: memref<1x64xf32, #tpu.memory_space<vmem>>, %arg3: memref<1x512xf32, #tpu.memory_space<vmem>>, %arg4: memref<1x512xf32, #tpu.memory_space<vmem>>, %arg5: memref<128x64xf32, #tpu.memory_space<vmem>>, %arg6: memref<128x64xf32, #tpu.memory_space<vmem>>, %arg7: memref<128x64xf32, #tpu.memory_space<vmem>>, %arg8: memref<64x64xf32, #tpu.memory_space<vmem>>, %arg9: memref<128x64xf32, #tpu.memory_space<vmem>>, %arg10: memref<128x64xf32, #tpu.memory_space<vmem>>, %arg11: memref<128x64xf32, #tpu.memory_space<vmem>>, %arg12: memref<64x64xf32, #tpu.memory_space<vmem>>, %arg13: memref<2048xf32, #tpu.memory_space<vmem>>) attributes {dimension_semantics = [#tpu.dimension_semantics<arbitrary>], iteration_bounds = array<i64: 4>, scalar_prefetch = 0 : i64, scratch_operands = 0 : i64, tpu.core_type = #tpu.core_type<tc>, window_params = [{transform_indices = @transform_0, window_bounds = array<i64: 2048, 128>}, {pipeline_mode = #tpu.pipeline_mode<synchronous>, transform_indices = @transform_1, window_bounds = array<i64: 1, 64>}, {pipeline_mode = #tpu.pipeline_mode<synchronous>, transform_indices = @transform_2, window_bounds = array<i64: 1, 512>}, {pipeline_mode = #tpu.pipeline_mode<synchronous>, transform_indices = @transform_3, window_bounds = array<i64: 1, 512>}, {pipeline_mode = #tpu.pipeline_mode<synchronous>, transform_indices = @transform_4, window_bounds = array<i64: 128, 64>}, {pipeline_mode = #tpu.pipeline_mode<synchronous>, transform_indices = @transform_5, window_bounds = array<i64: 128, 64>}, {pipeline_mode = #tpu.pipeline_mode<synchronous>, transform_indices = @transform_6, window_bounds = array<i64: 128, 64>}, {pipeline_mode = #tpu.pipeline_mode<synchronous>, transform_indices = @transform_7, window_bounds = array<i64: 64, 64>}, {pipeline_mode = #tpu.pipeline_mode<synchronous>, transform_indices = @transform_8, window_bounds = array<i64: 128, 64>}, {pipeline_mode = #tpu.pipeline_mode<synchronous>, transform_indices = @transform_9, window_bounds = array<i64: 128, 64>}, {pipeline_mode = #tpu.pipeline_mode<synchronous>, transform_indices = @transform_10, window_bounds = array<i64: 128, 64>}, {pipeline_mode = #tpu.pipeline_mode<synchronous>, transform_indices = @transform_11, window_bounds = array<i64: 64, 64>}, {transform_indices = @transform_12, window_bounds = array<i64: 2048>}]} {
    %get3A = arith.constant 0 : index
    %get3A_0 = arith.constant 0 : index
    %get3A_1 = vector.load %arg2[%get3A, %get3A_0] : memref<1x64xf32, #tpu.memory_space<vmem>>, vector<1x64xf32>
    %get3A_2 = arith.constant 0 : index
    %get3A_3 = arith.constant 0 : index
    %get3A_4 = vector.load %arg1[%get3A_2, %get3A_3] : memref<2048x128xf32, #tpu.memory_space<vmem>>, vector<2048x64xf32>
    %get3A_5 = arith.constant 0 : index
    %get3A_6 = arith.constant 0 : index
    %get3A_7 = vector.load %arg5[%get3A_5, %get3A_6] : memref<128x64xf32, #tpu.memory_space<vmem>>, vector<128x64xf32>
    %convert_element_type3A = arith.truncf %get3A_4 : vector<2048x64xf32> to vector<2048x64xbf16>
    %convert_element_type3A_8 = arith.truncf %get3A_7 : vector<128x64xf32> to vector<128x64xbf16>
    %dot_general3A = arith.constant dense<0.000000e+00> : vector<2048x128xf32>
    %dot_general3A_9 = tpu.matmul %convert_element_type3A, %convert_element_type3A_8, %dot_general3A {dimension_numbers = #tpu.dot_dimension_numbers<[1], [1], [0], [0], [0, 0, 1, 0], [], []>, transpose_lhs_hint = false} : vector<2048x64xbf16>, vector<128x64xbf16>, vector<2048x128xf32> -> vector<2048x128xf32>
    %get3A_10 = arith.constant 0 : index
    %get3A_11 = arith.constant 0 : index
    %get3A_12 = vector.load %arg6[%get3A_10, %get3A_11] : memref<128x64xf32, #tpu.memory_space<vmem>>, vector<128x64xf32>
    %convert_element_type3A_13 = arith.truncf %get3A_4 : vector<2048x64xf32> to vector<2048x64xbf16>
    %convert_element_type3A_14 = arith.truncf %get3A_12 : vector<128x64xf32> to vector<128x64xbf16>
    %dot_general3A_15 = arith.constant dense<0.000000e+00> : vector<2048x128xf32>
    %dot_general3A_16 = tpu.matmul %convert_element_type3A_13, %convert_element_type3A_14, %dot_general3A_15 {dimension_numbers = #tpu.dot_dimension_numbers<[1], [1], [0], [0], [0, 0, 1, 0], [], []>, transpose_lhs_hint = false} : vector<2048x64xbf16>, vector<128x64xbf16>, vector<2048x128xf32> -> vector<2048x128xf32>
    %get3A_17 = arith.constant 0 : index
    %get3A_18 = arith.constant 0 : index
    %get3A_19 = vector.load %arg7[%get3A_17, %get3A_18] : memref<128x64xf32, #tpu.memory_space<vmem>>, vector<128x64xf32>
    %convert_element_type3A_20 = arith.truncf %get3A_4 : vector<2048x64xf32> to vector<2048x64xbf16>
    %convert_element_type3A_21 = arith.truncf %get3A_19 : vector<128x64xf32> to vector<128x64xbf16>
    %dot_general3A_22 = arith.constant dense<0.000000e+00> : vector<2048x128xf32>
    %dot_general3A_23 = tpu.matmul %convert_element_type3A_20, %convert_element_type3A_21, %dot_general3A_22 {dimension_numbers = #tpu.dot_dimension_numbers<[1], [1], [0], [0], [0, 0, 1, 0], [], []>, transpose_lhs_hint = false} : vector<2048x64xbf16>, vector<128x64xbf16>, vector<2048x128xf32> -> vector<2048x128xf32>
    %get3A_24 = arith.constant 0 : index
    %get3A_25 = arith.constant 0 : index
    %get3A_26 = vector.load %arg8[%get3A_24, %get3A_25] : memref<64x64xf32, #tpu.memory_space<vmem>>, vector<64x64xf32>
    %convert_element_type3A_27 = arith.truncf %get3A_4 : vector<2048x64xf32> to vector<2048x64xbf16>
    %convert_element_type3A_28 = arith.truncf %get3A_26 : vector<64x64xf32> to vector<64x64xbf16>
    %dot_general3A_29 = arith.constant dense<0.000000e+00> : vector<2048x64xf32>
    %dot_general3A_30 = tpu.matmul %convert_element_type3A_27, %convert_element_type3A_28, %dot_general3A_29 {dimension_numbers = #tpu.dot_dimension_numbers<[1], [1], [0], [0], [0, 0, 1, 0], [], []>, transpose_lhs_hint = false} : vector<2048x64xbf16>, vector<64x64xbf16>, vector<2048x64xf32> -> vector<2048x64xf32>
    %get3A_31 = arith.constant 0 : index
    %get3A_32 = arith.constant 0 : index
    %get3A_33 = vector.load %arg3[%get3A_31, %get3A_32] : memref<1x512xf32, #tpu.memory_space<vmem>>, vector<1x512xf32>
    %get3A_34 = arith.constant 0 : index
    %get3A_35 = arith.constant 0 : index
    %get3A_36 = vector.load %arg4[%get3A_34, %get3A_35] : memref<1x512xf32, #tpu.memory_space<vmem>>, vector<1x512xf32>
    %slice3A = vector.extract_strided_slice %get3A_36 {offsets = [0, 0], sizes = [1, 128], strides = [1, 1]} : vector<1x512xf32> to vector<1x128xf32>
    %add3A = vector.broadcast %slice3A : vector<1x128xf32> to vector<2048x128xf32>
    %add3A_37 = arith.addf %dot_general3A_9, %add3A : vector<2048x128xf32>
    %mul3A = arith.constant 5.000000e-01 : f32
    %mul3A_38 = vector.broadcast %mul3A : f32 to vector<2048x128xf32>
    %mul3A_39 = arith.mulf %mul3A_38, %add3A_37 : vector<2048x128xf32>
    %tanh3A = math.tanh %mul3A_39 : vector<2048x128xf32>
    %mul3A_40 = arith.constant 5.000000e-01 : f32
    %mul3A_41 = vector.broadcast %mul3A_40 : f32 to vector<2048x128xf32>
    %mul3A_42 = arith.mulf %mul3A_41, %tanh3A : vector<2048x128xf32>
    %add3A_43 = arith.constant 5.000000e-01 : f32
    %add3A_44 = vector.broadcast %add3A_43 : f32 to vector<2048x128xf32>
    %add3A_45 = arith.addf %mul3A_42, %add3A_44 : vector<2048x128xf32>
    %slice3A_46 = vector.extract_strided_slice %get3A_36 {offsets = [0, 256], sizes = [1, 128], strides = [1, 1]} : vector<1x512xf32> to vector<1x128xf32>
    %add3A_47 = vector.broadcast %slice3A_46 : vector<1x128xf32> to vector<2048x128xf32>
    %add3A_48 = arith.addf %dot_general3A_23, %add3A_47 : vector<2048x128xf32>
    %tanh3A_49 = math.tanh %add3A_48 : vector<2048x128xf32>
    %mul3A_50 = arith.mulf %add3A_45, %tanh3A_49 : vector<2048x128xf32>
    %slice3A_51 = vector.extract_strided_slice %get3A_36 {offsets = [0, 384], sizes = [1, 64], strides = [1, 1]} : vector<1x512xf32> to vector<1x64xf32>
    %add3A_52 = vector.broadcast %slice3A_51 : vector<1x64xf32> to vector<2048x64xf32>
    %add3A_53 = arith.addf %dot_general3A_30, %add3A_52 : vector<2048x64xf32>
    %mul3A_54 = arith.constant 5.000000e-01 : f32
    %mul3A_55 = vector.broadcast %mul3A_54 : f32 to vector<2048x64xf32>
    %mul3A_56 = arith.mulf %mul3A_55, %add3A_53 : vector<2048x64xf32>
    %tanh3A_57 = math.tanh %mul3A_56 : vector<2048x64xf32>
    %mul3A_58 = arith.constant 5.000000e-01 : f32
    %mul3A_59 = vector.broadcast %mul3A_58 : f32 to vector<2048x64xf32>
    %mul3A_60 = arith.mulf %mul3A_59, %tanh3A_57 : vector<2048x64xf32>
    %add3A_61 = arith.constant 5.000000e-01 : f32
    %add3A_62 = vector.broadcast %add3A_61 : f32 to vector<2048x64xf32>
    %add3A_63 = arith.addf %mul3A_60, %add3A_62 : vector<2048x64xf32>
    %slice3A_64 = vector.extract_strided_slice %mul3A_50 {offsets = [0, 0], sizes = [2048, 64], strides = [1, 1]} : vector<2048x128xf32> to vector<2048x64xf32>
    %tanh3A_65 = math.tanh %slice3A_64 : vector<2048x64xf32>
    %mul3A_66 = arith.mulf %add3A_63, %tanh3A_65 : vector<2048x64xf32>
    %add3A_67 = arith.addf %get3A_4, %mul3A_66 : vector<2048x64xf32>
    %slice3A_68 = vector.extract_strided_slice %get3A_33 {offsets = [0, 0], sizes = [1, 128], strides = [1, 1]} : vector<1x512xf32> to vector<1x128xf32>
    %add3A_69 = vector.broadcast %slice3A_68 : vector<1x128xf32> to vector<2048x128xf32>
    %add3A_70 = arith.addf %dot_general3A_9, %add3A_69 : vector<2048x128xf32>
    %slice3A_71 = vector.extract_strided_slice %get3A_33 {offsets = [0, 128], sizes = [1, 128], strides = [1, 1]} : vector<1x512xf32> to vector<1x128xf32>
    %add3A_72 = vector.broadcast %slice3A_71 : vector<1x128xf32> to vector<2048x128xf32>
    %add3A_73 = arith.addf %dot_general3A_16, %add3A_72 : vector<2048x128xf32>
    %slice3A_74 = vector.extract_strided_slice %get3A_33 {offsets = [0, 256], sizes = [1, 128], strides = [1, 1]} : vector<1x512xf32> to vector<1x128xf32>
    %add3A_75 = vector.broadcast %slice3A_74 : vector<1x128xf32> to vector<2048x128xf32>
    %add3A_76 = arith.addf %dot_general3A_23, %add3A_75 : vector<2048x128xf32>
    %slice3A_77 = vector.extract_strided_slice %get3A_33 {offsets = [0, 384], sizes = [1, 64], strides = [1, 1]} : vector<1x512xf32> to vector<1x64xf32>
    %add3A_78 = vector.broadcast %slice3A_77 : vector<1x64xf32> to vector<2048x64xf32>
    %add3A_79 = arith.addf %dot_general3A_30, %add3A_78 : vector<2048x64xf32>
    %get3A_80 = arith.constant 0 : index
    %get3A_81 = arith.constant 0 : index
    %get3A_82 = vector.load %arg10[%get3A_80, %get3A_81] : memref<128x64xf32, #tpu.memory_space<vmem>>, vector<128x64xf32>
    %convert_element_type3A_83 = arith.truncf %add3A_67 : vector<2048x64xf32> to vector<2048x64xbf16>
    %convert_element_type3A_84 = arith.truncf %get3A_82 : vector<128x64xf32> to vector<128x64xbf16>
    %dot_general3A_85 = arith.constant dense<0.000000e+00> : vector<2048x128xf32>
    %dot_general3A_86 = tpu.matmul %convert_element_type3A_83, %convert_element_type3A_84, %dot_general3A_85 {dimension_numbers = #tpu.dot_dimension_numbers<[1], [1], [0], [0], [0, 0, 1, 0], [], []>, transpose_lhs_hint = false} : vector<2048x64xbf16>, vector<128x64xbf16>, vector<2048x128xf32> -> vector<2048x128xf32>
    %add3A_87 = arith.addf %add3A_73, %dot_general3A_86 : vector<2048x128xf32>
    %mul3A_88 = arith.constant 5.000000e-01 : f32
    %mul3A_89 = vector.broadcast %mul3A_88 : f32 to vector<2048x128xf32>
    %mul3A_90 = arith.mulf %mul3A_89, %add3A_87 : vector<2048x128xf32>
    %tanh3A_91 = math.tanh %mul3A_90 : vector<2048x128xf32>
    %mul3A_92 = arith.constant 5.000000e-01 : f32
    %mul3A_93 = vector.broadcast %mul3A_92 : f32 to vector<2048x128xf32>
    %mul3A_94 = arith.mulf %mul3A_93, %tanh3A_91 : vector<2048x128xf32>
    %add3A_95 = arith.constant 5.000000e-01 : f32
    %add3A_96 = vector.broadcast %add3A_95 : f32 to vector<2048x128xf32>
    %add3A_97 = arith.addf %mul3A_94, %add3A_96 : vector<2048x128xf32>
    %mul3A_98 = arith.mulf %add3A_97, %mul3A_50 : vector<2048x128xf32>
    %get3A_99 = arith.constant 0 : index
    %get3A_100 = arith.constant 0 : index
    %get3A_101 = vector.load %arg9[%get3A_99, %get3A_100] : memref<128x64xf32, #tpu.memory_space<vmem>>, vector<128x64xf32>
    %convert_element_type3A_102 = arith.truncf %add3A_67 : vector<2048x64xf32> to vector<2048x64xbf16>
    %convert_element_type3A_103 = arith.truncf %get3A_101 : vector<128x64xf32> to vector<128x64xbf16>
    %dot_general3A_104 = arith.constant dense<0.000000e+00> : vector<2048x128xf32>
    %dot_general3A_105 = tpu.matmul %convert_element_type3A_102, %convert_element_type3A_103, %dot_general3A_104 {dimension_numbers = #tpu.dot_dimension_numbers<[1], [1], [0], [0], [0, 0, 1, 0], [], []>, transpose_lhs_hint = false} : vector<2048x64xbf16>, vector<128x64xbf16>, vector<2048x128xf32> -> vector<2048x128xf32>
    %add3A_106 = arith.addf %add3A_70, %dot_general3A_105 : vector<2048x128xf32>
    %mul3A_107 = arith.constant 5.000000e-01 : f32
    %mul3A_108 = vector.broadcast %mul3A_107 : f32 to vector<2048x128xf32>
    %mul3A_109 = arith.mulf %mul3A_108, %add3A_106 : vector<2048x128xf32>
    %tanh3A_110 = math.tanh %mul3A_109 : vector<2048x128xf32>
    %mul3A_111 = arith.constant 5.000000e-01 : f32
    %mul3A_112 = vector.broadcast %mul3A_111 : f32 to vector<2048x128xf32>
    %mul3A_113 = arith.mulf %mul3A_112, %tanh3A_110 : vector<2048x128xf32>
    %add3A_114 = arith.constant 5.000000e-01 : f32
    %add3A_115 = vector.broadcast %add3A_114 : f32 to vector<2048x128xf32>
    %add3A_116 = arith.addf %mul3A_113, %add3A_115 : vector<2048x128xf32>
    %get3A_117 = arith.constant 0 : index
    %get3A_118 = arith.constant 0 : index
    %get3A_119 = vector.load %arg11[%get3A_117, %get3A_118] : memref<128x64xf32, #tpu.memory_space<vmem>>, vector<128x64xf32>
    %convert_element_type3A_120 = arith.truncf %add3A_67 : vector<2048x64xf32> to vector<2048x64xbf16>
    %convert_element_type3A_121 = arith.truncf %get3A_119 : vector<128x64xf32> to vector<128x64xbf16>
    %dot_general3A_122 = arith.constant dense<0.000000e+00> : vector<2048x128xf32>
    %dot_general3A_123 = tpu.matmul %convert_element_type3A_120, %convert_element_type3A_121, %dot_general3A_122 {dimension_numbers = #tpu.dot_dimension_numbers<[1], [1], [0], [0], [0, 0, 1, 0], [], []>, transpose_lhs_hint = false} : vector<2048x64xbf16>, vector<128x64xbf16>, vector<2048x128xf32> -> vector<2048x128xf32>
    %add3A_124 = arith.addf %add3A_76, %dot_general3A_123 : vector<2048x128xf32>
    %tanh3A_125 = math.tanh %add3A_124 : vector<2048x128xf32>
    %mul3A_126 = arith.mulf %add3A_116, %tanh3A_125 : vector<2048x128xf32>
    %add3A_127 = arith.addf %mul3A_98, %mul3A_126 : vector<2048x128xf32>
    %get3A_128 = arith.constant 0 : index
    %get3A_129 = arith.constant 0 : index
    %get3A_130 = vector.load %arg12[%get3A_128, %get3A_129] : memref<64x64xf32, #tpu.memory_space<vmem>>, vector<64x64xf32>
    %convert_element_type3A_131 = arith.truncf %add3A_67 : vector<2048x64xf32> to vector<2048x64xbf16>
    %convert_element_type3A_132 = arith.truncf %get3A_130 : vector<64x64xf32> to vector<64x64xbf16>
    %dot_general3A_133 = arith.constant dense<0.000000e+00> : vector<2048x64xf32>
    %dot_general3A_134 = tpu.matmul %convert_element_type3A_131, %convert_element_type3A_132, %dot_general3A_133 {dimension_numbers = #tpu.dot_dimension_numbers<[1], [1], [0], [0], [0, 0, 1, 0], [], []>, transpose_lhs_hint = false} : vector<2048x64xbf16>, vector<64x64xbf16>, vector<2048x64xf32> -> vector<2048x64xf32>
    %add3A_135 = arith.addf %add3A_79, %dot_general3A_134 : vector<2048x64xf32>
    %mul3A_136 = arith.constant 5.000000e-01 : f32
    %mul3A_137 = vector.broadcast %mul3A_136 : f32 to vector<2048x64xf32>
    %mul3A_138 = arith.mulf %mul3A_137, %add3A_135 : vector<2048x64xf32>
    %tanh3A_139 = math.tanh %mul3A_138 : vector<2048x64xf32>
    %mul3A_140 = arith.constant 5.000000e-01 : f32
    %mul3A_141 = vector.broadcast %mul3A_140 : f32 to vector<2048x64xf32>
    %mul3A_142 = arith.mulf %mul3A_141, %tanh3A_139 : vector<2048x64xf32>
    %add3A_143 = arith.constant 5.000000e-01 : f32
    %add3A_144 = vector.broadcast %add3A_143 : f32 to vector<2048x64xf32>
    %add3A_145 = arith.addf %mul3A_142, %add3A_144 : vector<2048x64xf32>
    %slice3A_146 = vector.extract_strided_slice %add3A_127 {offsets = [0, 0], sizes = [2048, 64], strides = [1, 1]} : vector<2048x128xf32> to vector<2048x64xf32>
    %tanh3A_147 = math.tanh %slice3A_146 : vector<2048x64xf32>
    %mul3A_148 = arith.mulf %add3A_145, %tanh3A_147 : vector<2048x64xf32>
    %add3A_149 = arith.addf %get3A_4, %mul3A_148 : vector<2048x64xf32>
    %get3A_150 = arith.constant 0 : index
    %get3A_151 = arith.constant 0 : index
    %get3A_152 = vector.load %arg10[%get3A_150, %get3A_151] : memref<128x64xf32, #tpu.memory_space<vmem>>, vector<128x64xf32>
    %convert_element_type3A_153 = arith.truncf %add3A_149 : vector<2048x64xf32> to vector<2048x64xbf16>
    %convert_element_type3A_154 = arith.truncf %get3A_152 : vector<128x64xf32> to vector<128x64xbf16>
    %dot_general3A_155 = arith.constant dense<0.000000e+00> : vector<2048x128xf32>
    %dot_general3A_156 = tpu.matmul %convert_element_type3A_153, %convert_element_type3A_154, %dot_general3A_155 {dimension_numbers = #tpu.dot_dimension_numbers<[1], [1], [0], [0], [0, 0, 1, 0], [], []>, transpose_lhs_hint = false} : vector<2048x64xbf16>, vector<128x64xbf16>, vector<2048x128xf32> -> vector<2048x128xf32>
    %add3A_157 = arith.addf %add3A_73, %dot_general3A_156 : vector<2048x128xf32>
    %mul3A_158 = arith.constant 5.000000e-01 : f32
    %mul3A_159 = vector.broadcast %mul3A_158 : f32 to vector<2048x128xf32>
    %mul3A_160 = arith.mulf %mul3A_159, %add3A_157 : vector<2048x128xf32>
    %tanh3A_161 = math.tanh %mul3A_160 : vector<2048x128xf32>
    %mul3A_162 = arith.constant 5.000000e-01 : f32
    %mul3A_163 = vector.broadcast %mul3A_162 : f32 to vector<2048x128xf32>
    %mul3A_164 = arith.mulf %mul3A_163, %tanh3A_161 : vector<2048x128xf32>
    %add3A_165 = arith.constant 5.000000e-01 : f32
    %add3A_166 = vector.broadcast %add3A_165 : f32 to vector<2048x128xf32>
    %add3A_167 = arith.addf %mul3A_164, %add3A_166 : vector<2048x128xf32>
    %mul3A_168 = arith.mulf %add3A_167, %add3A_127 : vector<2048x128xf32>
    %get3A_169 = arith.constant 0 : index
    %get3A_170 = arith.constant 0 : index
    %get3A_171 = vector.load %arg9[%get3A_169, %get3A_170] : memref<128x64xf32, #tpu.memory_space<vmem>>, vector<128x64xf32>
    %convert_element_type3A_172 = arith.truncf %add3A_149 : vector<2048x64xf32> to vector<2048x64xbf16>
    %convert_element_type3A_173 = arith.truncf %get3A_171 : vector<128x64xf32> to vector<128x64xbf16>
    %dot_general3A_174 = arith.constant dense<0.000000e+00> : vector<2048x128xf32>
    %dot_general3A_175 = tpu.matmul %convert_element_type3A_172, %convert_element_type3A_173, %dot_general3A_174 {dimension_numbers = #tpu.dot_dimension_numbers<[1], [1], [0], [0], [0, 0, 1, 0], [], []>, transpose_lhs_hint = false} : vector<2048x64xbf16>, vector<128x64xbf16>, vector<2048x128xf32> -> vector<2048x128xf32>
    %add3A_176 = arith.addf %add3A_70, %dot_general3A_175 : vector<2048x128xf32>
    %mul3A_177 = arith.constant 5.000000e-01 : f32
    %mul3A_178 = vector.broadcast %mul3A_177 : f32 to vector<2048x128xf32>
    %mul3A_179 = arith.mulf %mul3A_178, %add3A_176 : vector<2048x128xf32>
    %tanh3A_180 = math.tanh %mul3A_179 : vector<2048x128xf32>
    %mul3A_181 = arith.constant 5.000000e-01 : f32
    %mul3A_182 = vector.broadcast %mul3A_181 : f32 to vector<2048x128xf32>
    %mul3A_183 = arith.mulf %mul3A_182, %tanh3A_180 : vector<2048x128xf32>
    %add3A_184 = arith.constant 5.000000e-01 : f32
    %add3A_185 = vector.broadcast %add3A_184 : f32 to vector<2048x128xf32>
    %add3A_186 = arith.addf %mul3A_183, %add3A_185 : vector<2048x128xf32>
    %get3A_187 = arith.constant 0 : index
    %get3A_188 = arith.constant 0 : index
    %get3A_189 = vector.load %arg11[%get3A_187, %get3A_188] : memref<128x64xf32, #tpu.memory_space<vmem>>, vector<128x64xf32>
    %convert_element_type3A_190 = arith.truncf %add3A_149 : vector<2048x64xf32> to vector<2048x64xbf16>
    %convert_element_type3A_191 = arith.truncf %get3A_189 : vector<128x64xf32> to vector<128x64xbf16>
    %dot_general3A_192 = arith.constant dense<0.000000e+00> : vector<2048x128xf32>
    %dot_general3A_193 = tpu.matmul %convert_element_type3A_190, %convert_element_type3A_191, %dot_general3A_192 {dimension_numbers = #tpu.dot_dimension_numbers<[1], [1], [0], [0], [0, 0, 1, 0], [], []>, transpose_lhs_hint = false} : vector<2048x64xbf16>, vector<128x64xbf16>, vector<2048x128xf32> -> vector<2048x128xf32>
    %add3A_194 = arith.addf %add3A_76, %dot_general3A_193 : vector<2048x128xf32>
    %tanh3A_195 = math.tanh %add3A_194 : vector<2048x128xf32>
    %mul3A_196 = arith.mulf %add3A_186, %tanh3A_195 : vector<2048x128xf32>
    %add3A_197 = arith.addf %mul3A_168, %mul3A_196 : vector<2048x128xf32>
    %get3A_198 = arith.constant 0 : index
    %get3A_199 = arith.constant 0 : index
    %get3A_200 = vector.load %arg12[%get3A_198, %get3A_199] : memref<64x64xf32, #tpu.memory_space<vmem>>, vector<64x64xf32>
    %convert_element_type3A_201 = arith.truncf %add3A_149 : vector<2048x64xf32> to vector<2048x64xbf16>
    %convert_element_type3A_202 = arith.truncf %get3A_200 : vector<64x64xf32> to vector<64x64xbf16>
    %dot_general3A_203 = arith.constant dense<0.000000e+00> : vector<2048x64xf32>
    %dot_general3A_204 = tpu.matmul %convert_element_type3A_201, %convert_element_type3A_202, %dot_general3A_203 {dimension_numbers = #tpu.dot_dimension_numbers<[1], [1], [0], [0], [0, 0, 1, 0], [], []>, transpose_lhs_hint = false} : vector<2048x64xbf16>, vector<64x64xbf16>, vector<2048x64xf32> -> vector<2048x64xf32>
    %add3A_205 = arith.addf %add3A_79, %dot_general3A_204 : vector<2048x64xf32>
    %mul3A_206 = arith.constant 5.000000e-01 : f32
    %mul3A_207 = vector.broadcast %mul3A_206 : f32 to vector<2048x64xf32>
    %mul3A_208 = arith.mulf %mul3A_207, %add3A_205 : vector<2048x64xf32>
    %tanh3A_209 = math.tanh %mul3A_208 : vector<2048x64xf32>
    %mul3A_210 = arith.constant 5.000000e-01 : f32
    %mul3A_211 = vector.broadcast %mul3A_210 : f32 to vector<2048x64xf32>
    %mul3A_212 = arith.mulf %mul3A_211, %tanh3A_209 : vector<2048x64xf32>
    %add3A_213 = arith.constant 5.000000e-01 : f32
    %add3A_214 = vector.broadcast %add3A_213 : f32 to vector<2048x64xf32>
    %add3A_215 = arith.addf %mul3A_212, %add3A_214 : vector<2048x64xf32>
    %slice3A_216 = vector.extract_strided_slice %add3A_197 {offsets = [0, 0], sizes = [2048, 64], strides = [1, 1]} : vector<2048x128xf32> to vector<2048x64xf32>
    %tanh3A_217 = math.tanh %slice3A_216 : vector<2048x64xf32>
    %mul3A_218 = arith.mulf %add3A_215, %tanh3A_217 : vector<2048x64xf32>
    %add3A_219 = arith.addf %get3A_4, %mul3A_218 : vector<2048x64xf32>
    %get3A_220 = arith.constant 0 : index
    %get3A_221 = arith.constant 0 : index
    %get3A_222 = vector.load %arg10[%get3A_220, %get3A_221] : memref<128x64xf32, #tpu.memory_space<vmem>>, vector<128x64xf32>
    %convert_element_type3A_223 = arith.truncf %add3A_219 : vector<2048x64xf32> to vector<2048x64xbf16>
    %convert_element_type3A_224 = arith.truncf %get3A_222 : vector<128x64xf32> to vector<128x64xbf16>
    %dot_general3A_225 = arith.constant dense<0.000000e+00> : vector<2048x128xf32>
    %dot_general3A_226 = tpu.matmul %convert_element_type3A_223, %convert_element_type3A_224, %dot_general3A_225 {dimension_numbers = #tpu.dot_dimension_numbers<[1], [1], [0], [0], [0, 0, 1, 0], [], []>, transpose_lhs_hint = false} : vector<2048x64xbf16>, vector<128x64xbf16>, vector<2048x128xf32> -> vector<2048x128xf32>
    %add3A_227 = arith.addf %add3A_73, %dot_general3A_226 : vector<2048x128xf32>
    %mul3A_228 = arith.constant 5.000000e-01 : f32
    %mul3A_229 = vector.broadcast %mul3A_228 : f32 to vector<2048x128xf32>
    %mul3A_230 = arith.mulf %mul3A_229, %add3A_227 : vector<2048x128xf32>
    %tanh3A_231 = math.tanh %mul3A_230 : vector<2048x128xf32>
    %mul3A_232 = arith.constant 5.000000e-01 : f32
    %mul3A_233 = vector.broadcast %mul3A_232 : f32 to vector<2048x128xf32>
    %mul3A_234 = arith.mulf %mul3A_233, %tanh3A_231 : vector<2048x128xf32>
    %add3A_235 = arith.constant 5.000000e-01 : f32
    %add3A_236 = vector.broadcast %add3A_235 : f32 to vector<2048x128xf32>
    %add3A_237 = arith.addf %mul3A_234, %add3A_236 : vector<2048x128xf32>
    %mul3A_238 = arith.mulf %add3A_237, %add3A_197 : vector<2048x128xf32>
    %get3A_239 = arith.constant 0 : index
    %get3A_240 = arith.constant 0 : index
    %get3A_241 = vector.load %arg9[%get3A_239, %get3A_240] : memref<128x64xf32, #tpu.memory_space<vmem>>, vector<128x64xf32>
    %convert_element_type3A_242 = arith.truncf %add3A_219 : vector<2048x64xf32> to vector<2048x64xbf16>
    %convert_element_type3A_243 = arith.truncf %get3A_241 : vector<128x64xf32> to vector<128x64xbf16>
    %dot_general3A_244 = arith.constant dense<0.000000e+00> : vector<2048x128xf32>
    %dot_general3A_245 = tpu.matmul %convert_element_type3A_242, %convert_element_type3A_243, %dot_general3A_244 {dimension_numbers = #tpu.dot_dimension_numbers<[1], [1], [0], [0], [0, 0, 1, 0], [], []>, transpose_lhs_hint = false} : vector<2048x64xbf16>, vector<128x64xbf16>, vector<2048x128xf32> -> vector<2048x128xf32>
    %add3A_246 = arith.addf %add3A_70, %dot_general3A_245 : vector<2048x128xf32>
    %mul3A_247 = arith.constant 5.000000e-01 : f32
    %mul3A_248 = vector.broadcast %mul3A_247 : f32 to vector<2048x128xf32>
    %mul3A_249 = arith.mulf %mul3A_248, %add3A_246 : vector<2048x128xf32>
    %tanh3A_250 = math.tanh %mul3A_249 : vector<2048x128xf32>
    %mul3A_251 = arith.constant 5.000000e-01 : f32
    %mul3A_252 = vector.broadcast %mul3A_251 : f32 to vector<2048x128xf32>
    %mul3A_253 = arith.mulf %mul3A_252, %tanh3A_250 : vector<2048x128xf32>
    %add3A_254 = arith.constant 5.000000e-01 : f32
    %add3A_255 = vector.broadcast %add3A_254 : f32 to vector<2048x128xf32>
    %add3A_256 = arith.addf %mul3A_253, %add3A_255 : vector<2048x128xf32>
    %get3A_257 = arith.constant 0 : index
    %get3A_258 = arith.constant 0 : index
    %get3A_259 = vector.load %arg11[%get3A_257, %get3A_258] : memref<128x64xf32, #tpu.memory_space<vmem>>, vector<128x64xf32>
    %convert_element_type3A_260 = arith.truncf %add3A_219 : vector<2048x64xf32> to vector<2048x64xbf16>
    %convert_element_type3A_261 = arith.truncf %get3A_259 : vector<128x64xf32> to vector<128x64xbf16>
    %dot_general3A_262 = arith.constant dense<0.000000e+00> : vector<2048x128xf32>
    %dot_general3A_263 = tpu.matmul %convert_element_type3A_260, %convert_element_type3A_261, %dot_general3A_262 {dimension_numbers = #tpu.dot_dimension_numbers<[1], [1], [0], [0], [0, 0, 1, 0], [], []>, transpose_lhs_hint = false} : vector<2048x64xbf16>, vector<128x64xbf16>, vector<2048x128xf32> -> vector<2048x128xf32>
    %add3A_264 = arith.addf %add3A_76, %dot_general3A_263 : vector<2048x128xf32>
    %tanh3A_265 = math.tanh %add3A_264 : vector<2048x128xf32>
    %mul3A_266 = arith.mulf %add3A_256, %tanh3A_265 : vector<2048x128xf32>
    %add3A_267 = arith.addf %mul3A_238, %mul3A_266 : vector<2048x128xf32>
    %get3A_268 = arith.constant 0 : index
    %get3A_269 = arith.constant 0 : index
    %get3A_270 = vector.load %arg12[%get3A_268, %get3A_269] : memref<64x64xf32, #tpu.memory_space<vmem>>, vector<64x64xf32>
    %convert_element_type3A_271 = arith.truncf %add3A_219 : vector<2048x64xf32> to vector<2048x64xbf16>
    %convert_element_type3A_272 = arith.truncf %get3A_270 : vector<64x64xf32> to vector<64x64xbf16>
    %dot_general3A_273 = arith.constant dense<0.000000e+00> : vector<2048x64xf32>
    %dot_general3A_274 = tpu.matmul %convert_element_type3A_271, %convert_element_type3A_272, %dot_general3A_273 {dimension_numbers = #tpu.dot_dimension_numbers<[1], [1], [0], [0], [0, 0, 1, 0], [], []>, transpose_lhs_hint = false} : vector<2048x64xbf16>, vector<64x64xbf16>, vector<2048x64xf32> -> vector<2048x64xf32>
    %add3A_275 = arith.addf %add3A_79, %dot_general3A_274 : vector<2048x64xf32>
    %mul3A_276 = arith.constant 5.000000e-01 : f32
    %mul3A_277 = vector.broadcast %mul3A_276 : f32 to vector<2048x64xf32>
    %mul3A_278 = arith.mulf %mul3A_277, %add3A_275 : vector<2048x64xf32>
    %tanh3A_279 = math.tanh %mul3A_278 : vector<2048x64xf32>
    %mul3A_280 = arith.constant 5.000000e-01 : f32
    %mul3A_281 = vector.broadcast %mul3A_280 : f32 to vector<2048x64xf32>
    %mul3A_282 = arith.mulf %mul3A_281, %tanh3A_279 : vector<2048x64xf32>
    %add3A_283 = arith.constant 5.000000e-01 : f32
    %add3A_284 = vector.broadcast %add3A_283 : f32 to vector<2048x64xf32>
    %add3A_285 = arith.addf %mul3A_282, %add3A_284 : vector<2048x64xf32>
    %slice3A_286 = vector.extract_strided_slice %add3A_267 {offsets = [0, 0], sizes = [2048, 64], strides = [1, 1]} : vector<2048x128xf32> to vector<2048x64xf32>
    %tanh3A_287 = math.tanh %slice3A_286 : vector<2048x64xf32>
    %mul3A_288 = arith.mulf %add3A_285, %tanh3A_287 : vector<2048x64xf32>
    %add3A_289 = arith.addf %get3A_4, %mul3A_288 : vector<2048x64xf32>
    %mul3A_290 = vector.broadcast %get3A_1 : vector<1x64xf32> to vector<2048x64xf32>
    %mul3A_291 = arith.mulf %add3A_289, %mul3A_290 : vector<2048x64xf32>
    %reduce_sum3A = arith.constant dense<0.000000e+00> : vector<2048xf32>
    %reduce_sum3A_292 = vector.multi_reduction <add>, %mul3A_291, %reduce_sum3A [1] : vector<2048x64xf32> to vector<2048xf32>
    %mul3A_293 = arith.mulf %add3A_289, %add3A_289 : vector<2048x64xf32>
    %reduce_sum3A_294 = arith.constant dense<0.000000e+00> : vector<2048xf32>
    %reduce_sum3A_295 = vector.multi_reduction <add>, %mul3A_293, %reduce_sum3A_294 [1] : vector<2048x64xf32> to vector<2048xf32>
    %mul3A_296 = arith.mulf %get3A_1, %get3A_1 : vector<1x64xf32>
    %reduce_sum3A_297 = vector.shape_cast %mul3A_296 : vector<1x64xf32> to vector<1x1x64xf32>
    %reduce_sum3A_298 = arith.constant dense<0.000000e+00> : vector<1xf32>
    %reduce_sum3A_299 = vector.multi_reduction <add>, %reduce_sum3A_297, %reduce_sum3A_298 [1, 2] : vector<1x1x64xf32> to vector<1xf32>
    %reduce_sum3A_300 = vector.shape_cast %reduce_sum3A_299 : vector<1xf32> to vector<1x1x1xf32>
    %reduce_sum3A_301 = vector.extract %reduce_sum3A_300[0, 0, 0] : f32 from vector<1x1x1xf32>
    %mul3A_302 = vector.broadcast %reduce_sum3A_301 : f32 to vector<2048xf32>
    %mul3A_303 = arith.mulf %reduce_sum3A_295, %mul3A_302 : vector<2048xf32>
    %rsqrt3A = math.rsqrt %mul3A_303 : vector<2048xf32>
    %mul3A_304 = arith.mulf %reduce_sum3A_292, %rsqrt3A : vector<2048xf32>
    %swap3A = arith.constant 0 : index
    %swap3A_305 = vector.load %arg13[%swap3A] : memref<2048xf32, #tpu.memory_space<vmem>>, vector<2048xf32>
    tpu.vector_store %arg13[%swap3A], %mul3A_304 {strides = array<i32>} : memref<2048xf32, #tpu.memory_space<vmem>>, vector<2048xf32>,
    return
  }
  func.func @transform_0(%arg0: i32) -> (i32, i32) {
    %c0_i32 = arith.constant 0 : i32
    %c0_i32_0 = arith.constant 0 : i32
    return %arg0, %c0_i32 : i32, i32
  }
  func.func @transform_1(%arg0: i32) -> (i32, i32) {
    %c0_i32 = arith.constant 0 : i32
    %c0_i32_0 = arith.constant 0 : i32
    %c0_i32_1 = arith.constant 0 : i32
    return %c0_i32, %c0_i32_0 : i32, i32
  }
  func.func @transform_2(%arg0: i32) -> (i32, i32) {
    %c0_i32 = arith.constant 0 : i32
    %c0_i32_0 = arith.constant 0 : i32
    %c0_i32_1 = arith.constant 0 : i32
    return %c0_i32, %c0_i32_0 : i32, i32
  }
  func.func @transform_3(%arg0: i32) -> (i32, i32) {
    %c0_i32 = arith.constant 0 : i32
    %c0_i32_0 = arith.constant 0 : i32
    %c0_i32_1 = arith.constant 0 : i32
    return %c0_i32, %c0_i32_0 : i32, i32
  }
  func.func @transform_4(%arg0: i32) -> (i32, i32) {
    %c0_i32 = arith.constant 0 : i32
    %c0_i32_0 = arith.constant 0 : i32
    %c0_i32_1 = arith.constant 0 : i32
    return %c0_i32, %c0_i32_0 : i32, i32
  }
  func.func @transform_5(%arg0: i32) -> (i32, i32) {
    %c0_i32 = arith.constant 0 : i32
    %c0_i32_0 = arith.constant 0 : i32
    %c0_i32_1 = arith.constant 0 : i32
    return %c0_i32, %c0_i32_0 : i32, i32
  }
  func.func @transform_6(%arg0: i32) -> (i32, i32) {
    %c0_i32 = arith.constant 0 : i32
    %c0_i32_0 = arith.constant 0 : i32
    %c0_i32_1 = arith.constant 0 : i32
    return %c0_i32, %c0_i32_0 : i32, i32
  }
  func.func @transform_7(%arg0: i32) -> (i32, i32) {
    %c0_i32 = arith.constant 0 : i32
    %c0_i32_0 = arith.constant 0 : i32
    %c0_i32_1 = arith.constant 0 : i32
    return %c0_i32, %c0_i32_0 : i32, i32
  }
  func.func @transform_8(%arg0: i32) -> (i32, i32) {
    %c0_i32 = arith.constant 0 : i32
    %c0_i32_0 = arith.constant 0 : i32
    %c0_i32_1 = arith.constant 0 : i32
    return %c0_i32, %c0_i32_0 : i32, i32
  }
  func.func @transform_9(%arg0: i32) -> (i32, i32) {
    %c0_i32 = arith.constant 0 : i32
    %c0_i32_0 = arith.constant 0 : i32
    %c0_i32_1 = arith.constant 0 : i32
    return %c0_i32, %c0_i32_0 : i32, i32
  }
  func.func @transform_10(%arg0: i32) -> (i32, i32) {
    %c0_i32 = arith.constant 0 : i32
    %c0_i32_0 = arith.constant 0 : i32
    %c0_i32_1 = arith.constant 0 : i32
    return %c0_i32, %c0_i32_0 : i32, i32
  }
  func.func @transform_11(%arg0: i32) -> (i32, i32) {
    %c0_i32 = arith.constant 0 : i32
    %c0_i32_0 = arith.constant 0 : i32
    %c0_i32_1 = arith.constant 0 : i32
    return %c0_i32, %c0_i32_0 : i32, i32
  }
  func.func @transform_12(%arg0: i32) -> i32 {
    %c0_i32 = arith.constant 0 : i32
    return %arg0 : i32
  }
}

</mosaic_0001>

<sc_bundles>
// kernel: kernel.12.cloned.1.call-start
scs
__scs_entry_jumppad:
0x0: {  	(pc) =	sbr.rel $0x88, $3  }
0x1: {  	(tag) =	ssettag $0x0;
	lr =	simm.s32 $0x1  }
0x2: {  	[smem:$0x3F91] =	sst lr;
	_ =	strace $0xD0000000  }
0x3: {  	_ = 	snop  }
0x4: {  	_ = 	snop  }
0x5: {  	_ = 	snop  }
0x6: {  	_ = 	snop  }
0x7: {  	_ = 	snop  }
__scs_overlays_trampoline_lowered:
0x8: {  	[smem:$0x3FA0] =	sst s0  }
0x9: {  	[smem:$0x3FA1] =	sst s1  }
0xa: {  	[smem:$0x3FA2] =	sst s2  }
0xb: {  	[smem:$0x3FA3] =	sst s3  }
0xc: {  	[smem:$0x3FA4] =	sst s4  }
0xd: {  	[smem:$0x3FA5] =	sst s5  }
0xe: {  	[smem:$0x3FA6] =	sst s6  }
0xf: {  	[smem:$0x3FA7] =	sst s7  }
0x10: {  	[smem:$0x3FA8] =	sst s8  }
0x11: {  	[smem:$0x3FA9] =	sst s9;
	s0 =	simm.s32 @!p0 $0x0  }
0x12: {  	s1 =	sld [smem:$0x3F8F];
	s0 =	simm.s32 @p0 $0x1  }
0x13: {  	[smem:$0x3FAA] =	sst s0;
	s0 =	simm.s32 @!p1 $0x0  }
0x14: {  	s2 =	sld [smem:$0x3F8E];
	s0 =	simm.s32 @p1 $0x1  }
0x15: {  	[smem:$0x3FAB] =	sst s0;
	s0 =	simm.s32 @!p2 $0x0  }
0x16: {  	s3 =	sld [smem:$0x3FDB];
	s0 =	simm.s32 @p2 $0x1  }
0x17: {  	s4 =	simm.s32 $0x1BF5;
	[smem:$0x3FAD] =	sst s0  }
0x18: {  	s0 =	sld [smem:$0x3F90];
	_ =	swait.ge [sflag:s4], $0x0  }
0x19: {  	s7 =	sld [smem:$0x3F91]  }
0x1a: {  	s8 =	sadd.s32 $0xFFFFE003, lr  }
0x1b: {  	s9 =	sadd.s32 $0xFFFFFEF7, lr;
	s5 =	simm.s32 $0xFFFFFFFF;
	p2 =	slt.u32 s8, $0xFFFFF086  }
0x1c: {  	p1 =	slt.u32 s9, $0xF7A;
	s5 =	simm.s32 @!p2 $0x0  }
0x1d: {  	s5 =	simm.s32 @p1 $0x1;
	p0 =	seq.s32 s7, s2  }
0x1e: {  	s7 =	smul.u32 @!p0 $0xF7A, s2;
	p2 =	seq.s32 @!p0 s5, $0x0  }
0x1f: {  	s9 =	smul.u32 $0xF7A, s1;
	s8 =	simm.s32 @!p0 $0x1BF5;
	p2 =	por !p2, p0  }
0x20: {  	[sflag:s8] =	ssyncset.s32 @!p0 $0xFFFFF086;
	s6 =	sadd.s32 @!p0 s3, s7;
	s7 =	simm.s32 @!p0 $0x108  }
0x21: {  	s3 =	sadd.s32 s3, s9;
	s6 =	sadd.s32 @!p0 $0x88, s6;
	s7 =	simm.s32 @p2 $0x1082  }
0x22: {  	[simem:s7], [sflag:s8] =	dma.local @!p0 [hbm:s6], $0xF7A  }
0x23: {  	s9 =	sor.u32 $0xD0000000, s2;
	s6 =	simm.s32 $0x108;
	_ =	swait.ge @!p0 [sflag:s8], $0x0  }
0x24: {  	s3 =	sadd.s32 $0x88, s3;
	s6 =	simm.s32 @!p1 $0x1082;
	[sflag:s4] =	ssyncset.s32 $0xFFFFF086  }
0x25: {  	[simem:s6], [sflag:s4] =	dma.local [hbm:s3], $0xF7A  }
0x26: {  	[smem:$0x3F91] =	sst s1;
	(tag) =	ssettag s2;
	_ =	strace s9  }
0x27: {  	s1 =	sld [smem:$0x3FA1]  }
0x28: {  	s2 =	sld [smem:$0x3FA2]  }
0x29: {  	s4 =	sld [smem:$0x3FA4]  }
0x2a: {  	p0 =	seq.s32 s5, $0x0;
	s5 =	sld [smem:$0x3FA5]  }
0x2b: {  	s6 =	sld [smem:$0x3FA6]  }
0x2c: {  	s7 =	sld [smem:$0x3FA7]  }
0x2d: {  	s3 =	simm.s32 $0x108;
	s8 =	sld [smem:$0x3FA8]  }
0x2e: {  	s3 =	simm.s32 @!p0 $0x1082;
	s9 =	sld [smem:$0x3FA9]  }
0x2f: {  	lr =	sadd.s32 s0, s3;
	s0 =	sld [smem:$0x3FA0]  }
0x30: {  	s3 =	sld [smem:$0x3FA3]  }
0x31: {  	[smem:$0x3FAC] =	sst s10  }
0x32: {  	s10 =	sld [smem:$0x3FAA];
	_ =	sdelay $0x3  }
0x33: {  	p0 =	seq.s32 s10, $0x1;
	s10 =	sld [smem:$0x3FAC];
	_ =	sdelay $0x3  }
0x34: {  	[smem:$0x3FAC] =	sst s10  }
0x35: {  	s10 =	sld [smem:$0x3FAB];
	_ =	sdelay $0x3  }
0x36: {  	p1 =	seq.s32 s10, $0x1;
	s10 =	sld [smem:$0x3FAC];
	_ =	sdelay $0x3  }
0x37: {  	[smem:$0x3FAC] =	sst s10  }
0x38: {  	s10 =	sld [smem:$0x3FAD]  }
0x39: {  	_ = 	snop;
	(pc) =	sbr.ind lr, $3  }
0x3a: {  	_ = 	snop  }
0x3b: {  	_ = 	snop  }
0x3c: {  	p2 =	seq.s32 s10, $0x1;
	s10 =	sld [smem:$0x3FAC]  }
0x3d: {  	_ =	shalt  }
0x3e: {  	_ =	shalt  }
0x3f: {  	_ =	shalt  }
0x40: {  	_ =	shalt  }
0x41: {  	_ =	shalt  }
0x42: {  	_ =	shalt  }
0x43: {  	_ =	shalt  }
0x44: {  	_ =	shalt  }
0x45: {  	_ =	shalt  }
0x46: {  	_ =	shalt  }
0x47: {  	_ =	shalt  }
0x48: {  	_ =	shalt  }
0x49: {  	_ =	shalt  }
0x4a: {  	_ =	shalt  }
0x4b: {  	_ =	shalt  }
0x4c: {  	_ =	shalt  }
0x4d: {  	_ =	shalt  }
0x4e: {  	_ =	shalt  }
0x4f: {  	_ =	shalt  }
0x50: {  	_ =	shalt  }
0x51: {  	_ =	shalt  }
0x52: {  	_ =	shalt  }
0x53: {  	_ =	shalt  }
0x54: {  	_ =	shalt  }
0x55: {  	_ =	shalt  }
0x56: {  	_ =	shalt  }
0x57: {  	_ =	shalt  }
0x58: {  	_ =	shalt  }
0x59: {  	_ =	shalt  }
0x5a: {  	_ =	shalt  }
0x5b: {  	_ =	shalt  }
0x5c: {  	_ =	shalt  }
0x5d: {  	_ =	shalt  }
0x5e: {  	_ =	shalt  }
0x5f: {  	_ =	shalt  }
0x60: {  	_ =	shalt  }
0x61: {  	_ =	shalt  }
0x62: {  	_ =	shalt  }
0x63: {  	_ =	shalt  }
0x64: {  	_ =	shalt  }
0x65: {  	_ =	shalt  }
0x66: {  	_ =	shalt  }
0x67: {  	_ =	shalt  }
0x68: {  	_ =	shalt  }
0x69: {  	_ =	shalt  }
0x6a: {  	_ =	shalt  }
0x6b: {  	_ =	shalt  }
0x6c: {  	_ =	shalt  }
0x6d: {  	_ =	shalt  }
0x6e: {  	_ =	shalt  }
0x6f: {  	_ =	shalt  }
0x70: {  	_ =	shalt  }
0x71: {  	_ =	shalt  }
0x72: {  	_ =	shalt  }
0x73: {  	_ =	shalt  }
0x74: {  	_ =	shalt  }
0x75: {  	_ =	shalt  }
0x76: {  	_ =	shalt  }
0x77: {  	_ =	shalt  }
0x78: {  	_ =	shalt  }
0x79: {  	_ =	shalt  }
0x7a: {  	_ =	shalt  }
0x7b: {  	_ =	shalt  }
0x7c: {  	_ =	shalt  }
0x7d: {  	_ =	shalt  }
0x7e: {  	_ =	shalt  }
0x7f: {  	_ =	shalt  }
0x80: {  	_ =	shalt  }
0x81: {  	_ =	shalt  }
0x82: {  	_ =	shalt  }
0x83: {  	_ =	shalt  }
0x84: {  	_ =	shalt  }
0x85: {  	_ =	shalt  }
0x86: {  	_ =	shalt  }
0x87: {  	_ =	shalt  }
.Lfunc_end0:
.L_simem_size_0:
called_computation.1_lowered:
.L_overlay_start_0:
0x88: {  	s2 =	sld [smem:$0x3FD9]  }
0x89: {  	s3 =	sld [smem:$0x3FFE];
	_ =	sdelay $0x1  }
0x8a: {  	s1 =	srdreg.scid  }
0x8b: {  	s0 =	sand.u32 $0x1, s1  }
0x8c: {  	s17 =	sshll.u32 s0, $0xA;
	s2 =	sadd.s32 s3, s2  }
0x8d: {  	s2 =	sadd.s32 s2, s17  }
0x8e: {  	[smem:$0x3FB8] =	sst s2  }
0x8f: {  	_ = 	snop  }
0x90: {  	(tm) =	ssettm $0x1  }
0x91: {  	s18 =	sld [smem:$0x3FFB];
	_ =	sdelay $0x3  }
0x92: {  	_ =	strace s18  }
0x93: {  	s2 =	sld [smem:$0x3FFC];
	_ =	sdelay $0x3  }
0x94: {  	_ =	strace s2  }
0x95: {  	s2 =	sld [smem:$0x3FFD];
	_ =	sdelay $0x3  }
0x96: {  	_ =	strace s2  }
0x97: {  	_ =	strace $0x8FFFFFFF  }
0x98: {  	s19 =	sld [smem:$0x3FDB];
	_ =	sdelay $0x1  }
0x99: {  	s20 =	simm.s32 $_scs_section_size  }
0x9a: {  	s4 =	simm.s32 $_size__tile_overlayer_lowered;
	s5 =	simm.s32 $_tile_overlayer_lowered  }
0x9b: {  	s6 =	simm.s32 $0x1BFF;
	s21 =	sshll.u32 s5, $0x1;
	s3 =	sadd.s32 s20, s19  }
0x9c: {  	s22 =	simm.s32 $0x0;
	s4 =	sshll.u32 s4, $0x1;
	s5 =	sadd.s32 s21, s3  }
0x9d: {  	[timem:s22], [sflag:s6] =	dma.local [hbm:s5], s4  }
0x9e: {  	_ =	swait.ge [sflag:s6], s4  }
0x9f: {  	s4 =	ssub.s32 $0x0, s4;
	[sflag:s6] =	ssyncset.done $0x0  }
0xa0: {  	[sflag:s6] =	ssyncadd.s32 s4;
	_ =	sdelay $0x1  }
0xa1: {  	s23 =	simm.s32 $0x1B8B  }
0xa2: {  	_ =	swait.ge [sflag:s23], $0x1  }
0xa3: {  	[sflag:s23] =	ssyncset.done $0x0  }
0xa4: {  	[sflag:s23] =	ssyncadd.s32 $0xFFFFFFFF  }
0xa5: {  	s4 =	sld [smem:$0x0]  }
0xa6: {  	s5 =	sand.u32 $0xFFFFFFFE, s1  }
0xa7: {  	p0 =	sne.s32 s1, s5  }
0xa8: {  	s5 =	sshll.u32 @p0 s5, $0xE  }
0xa9: {  	s5 =	sadd.s32 @p0 $0x11B8D, s5;
	s6 =	sshll.u32 @p0 s4, $0x11  }
0xaa: {  	s5 =	sor.u32 @p0 s6, s5  }
0xab: {  	[sflag:s5] =	ssyncadd.remote.s32 @p0 $0x1;
	_ =	sdelay $0x1  }
0xac: {  	s5 =	simm.s32 @p0 $0x1B8D  }
0xad: {  	_ =	swait.eq @p0 [sflag:s5], $0x1  }
0xae: {  	[sflag:s5] =	ssyncadd.s32 @p0 $0xFFFFFFFF  }
0xaf: {  	s6 =	sshll.u32 @!p0 s1, $0xE  }
0xb0: {  	s6 =	sor.u32 @!p0 $0x4000, s6;
	s5 =	simm.s32 @!p0 $0x1B8D  }
0xb1: {  	s4 =	sshll.u32 @!p0 s4, $0x11;
	s6 =	sadd.s32 @!p0 $0x11B8D, s6;
	_ =	swait.eq @!p0 [sflag:s5], $0x1  }
0xb2: {  	s4 =	sor.u32 @!p0 s4, s6;
	[sflag:s5] =	ssyncadd.s32 @!p0 $0xFFFFFFFF  }
0xb3: {  	s25 =	simm.s32 $0x1B8E;
	s24 =	sld [smem:$0x3FFE];
	[sflag:s4] =	ssyncadd.remote.s32 @!p0 $0x1  }
0xb4: {  	s26 =	simm.s32 $execute0_lowered;
	[smem:$0x3FD2] =	sst s25  }
0xb5: {  	s5 =	sshll.u32 s26, $0x1;
	_ =	strace $0x8000004C;
	[dreg:$0x1] =	wrdreg $0xFFFFFFFF  }
0xb6: {  	s28 =	simm.s32 $_size_execute0_lowered;
	s3 =	sadd.s32 s3, s5;
	[dreg:$0x0] =	wrdreg $0x0  }
0xb7: {  	s5 =	sshll.u32 s28, $0x1;
	[dreg:$0x2] =	wrdreg s3  }
0xb8: {  	[dreg:$0x3] =	wrdreg s5  }
0xb9: {  	[dreg:$0x4] =	wrdreg $0xC0  }
0xba: {  	_ =	task [dreg:s22], $0x5FFFF  }
0xbb: {  	[dreg:$0x1] =	wrdreg $0xFFFFFFFF  }
0xbc: {  	[dreg:$0x0] =	wrdreg $0x60  }
0xbd: {  	[dreg:$0x2] =	wrdreg s24  }
0xbe: {  	[dreg:$0x3] =	wrdreg $0xA  }
0xbf: {  	_ =	task.clear_ibuf [dreg:s22], $0x4FFFF;
	_ =	strace $0x9000004C  }
0xc0: {  	s29 =	simm.s32 $0xA;
	_ =	strace $0x8000004E  }
0xc1: {  	_ =	swait.ge [sflag:s29], $0x1  }
0xc2: {  	[sflag:s29] =	ssyncadd.s32 $0xFFFFFFFF  }
0xc3: {  	_ =	strace $0x9000004E  }
0xc4: {  	_ =	sfence  }
0xc5: {  	s30 =	sld [smem:$0x0];
	_ =	sdelay $0x2  }
0xc6: {  	s31 =	sshll.u32 s1, $0xD;
	s1 =	sshrl.u32 s1, $0x2  }
0xc7: {  	s4 =	sand.u32 $0x4000, s31;
	s1 =	sadd.s32 s1, s30  }
0xc8: {  	s0 =	sor.u32 s4, s0;
	s1 =	sshll.u32 s1, $0x11  }
0xc9: {  	s0 =	sor.u32 s1, s0  }
0xca: {  	s0 =	sadd.s32 $0x8F2B, s0  }
0xcb: {  	[sflag:s0] =	ssyncadd.remote.s32 $0x1  }
0xcc: {  	_ =	sfence.sel $0xFFFF  }
0xcd: {  	[dreg:$0x0] =	wrdreg $0xFFFFFFFF;
	(pc) =	sbr.abs _section_cstart, $3  }
0xce: {  	[dreg:$0x1] =	wrdreg $0xFFFFFFFF  }
0xcf: {  	_ =	task.clear_ibuf [dreg:s22], $0x2FFFF;
	_ =	strace $0x9FFFFFFF  }
0xd0: {  	(tm) =	ssettm $0x7FFFFFFF  }
0xd1: {  	_ =	shalt  }
tec
execute0_lowered:
.L_overlay_start_1:
0x0: {  	(tag) =	ssettag $0x1  }
0x1: {  	s1 =	srdreg.scid  }
0x2: {  	s0 =	stileid.u32;
	s10 =	sand.u32 $0x1, s1  }
0x3: {  	s29 =	sshll.u32 s0, $0x9;
	s2 =	sshll.u32 s10, $0x8  }
0x4: {  	s11 =	rddreg [dreg:$0x0];
	s12 =	sor.u32 s2, s29  }
0x5: {  	s1 =	rddreg [dreg:$0x1];
	s2 =	simm.s32 $0x0;
	s3 =	sshrl.u32 s12, $0x3  }
0x6: {  	[smem:$0x7FF] =	sst s2;
	s3 =	sadd.s32 s3, s11  }
0x7: {  	_ =	strace $0x8000004D;
	s4 =	sadd.s32 $0x1C5800, s3;
	s3 =	simm.s32 $0x2  }
0x8: {  	[tilespmem:s2], [sflag:$0x2] =	stream.linear.gather [hbm4b:s4+s2], $0x100, $0x38;
	[tilespmem:$0x8100] =	vst v63  }
0x9: {  	_ =	swait.ge [sflag:s3], $0x100  }
0xa: {  	s6 =	simm.s32 $0x80;
	[sflag:s3] =	ssyncset.done $0x0  }
0xb: {  	s7 =	simm.s32 $0x100;
	s5 =	sadd.s32 $0x3800, s11;
	[sflag:s3] =	ssyncadd.s32 $0xFFFFFF00  }
0xc: {  	[tilespmem:s7], [sflag:$0x1] =	stream.indirect.gather [hbm4b:s5+s6], $0x80, s2, s6, $0xb8;
	[tilespmem:$0x8100] =	vst v63  }
0xd: {  	s8 =	simm.s32 $0x4100;
	s9 =	simm.s32 $0x1;
	s10 =	ssub.s32 $0x2, s10  }
0xe: {  	[tilespmem:s8], [sflag:$0x1] =	stream.indirect.gather [hbm4b:s5+s6], $0x80, s6, s6, $0xb8;
	[tilespmem:$0x8100] =	vst v63  }
0xf: {  	s13 =	sshrl.u32 s10, $0x1;
	_ =	swait.ge [sflag:s9], $0x4000  }
0x10: {  	s30 =	ssub.s32 s10, s13;
	[sflag:s9] =	ssyncset.done $0x0  }
0x11: {  	s31 =	smax.u32 s30, $0x1;
	[sflag:s9] =	ssyncadd.s32 $0xFFFFC000  }
0x12: {  	s12 =	sshll.u32 s12, $0x4;
	p0 =	sne.s32 s31, $0x1;
	_ =	swait.ge [sflag:s9], $0x4000  }
.Ltmp0:
0x13: {  	s11 =	sadd.s32 s12, s11;
	[sflag:s9] =	ssyncset.done $0x0;
	(pc) =	sbr.rel @!p0 .LBB2_2-.Ltmp0, $4  }
0x14: {  	s10 =	sadd.s32 $0x1C5C00, s11;
	[sflag:s9] =	ssyncadd.s32 $0xFFFFC000  }
0x15: {  	[hbm4b:s10+s2] =	stream.linear.scatter [tilespmem:s7], [sflag:$0x2], $0x8000, $0x38;
	[tilespmem:$0x8100] =	vst v63  }
0x16: {  	_ =	swait.ge [sflag:s3], $0x8000  }
0x17: {  	s11 =	sadd.s32 $0xFFFFFFFF, s31;
	[sflag:s3] =	ssyncset.done $0x0  }
.LBB2_1:
0x18: {  	p0 =	sne.s32 s11, $0x1;
	s11 =	sadd.s32 $0xFFFFFFFF, s11;
	[sflag:s3] =	ssyncadd.s32 $0xFFFF8000  }
0x19: {  	[tilespmem:s2], [sflag:$0x2] =	stream.linear.gather [hbm4b:s4+s2], $0x100, $0x38;
	[tilespmem:$0x8100] =	vst v63  }
0x1a: {  	_ =	swait.ge [sflag:s3], $0x100  }
0x1b: {  	[sflag:s3] =	ssyncset.done $0x0  }
0x1c: {  	[sflag:s3] =	ssyncadd.s32 $0xFFFFFF00  }
0x1d: {  	[tilespmem:s7], [sflag:$0x1] =	stream.indirect.gather [hbm4b:s5+s6], $0x80, s2, s6, $0xb8;
	[tilespmem:$0x8100] =	vst v63  }
0x1e: {  	_ = 	snop  }
0x1f: {  	[tilespmem:s8], [sflag:$0x1] =	stream.indirect.gather [hbm4b:s5+s6], $0x80, s6, s6, $0xb8;
	[tilespmem:$0x8100] =	vst v63  }
0x20: {  	_ =	swait.ge [sflag:s9], $0x4000  }
0x21: {  	[sflag:s9] =	ssyncset.done $0x0  }
0x22: {  	[sflag:s9] =	ssyncadd.s32 $0xFFFFC000  }
0x23: {  	_ =	swait.ge [sflag:s9], $0x4000  }
.Ltmp1:
0x24: {  	[sflag:s9] =	ssyncset.done $0x0;
	(pc) =	sbr.rel @p0 .LBB2_1-.Ltmp1, $4  }
0x25: {  	[sflag:s9] =	ssyncadd.s32 $0xFFFFC000  }
0x26: {  	[hbm4b:s10+s2] =	stream.linear.scatter [tilespmem:s7], [sflag:$0x2], $0x8000, $0x38;
	[tilespmem:$0x8100] =	vst v63  }
0x27: {  	_ =	swait.ge [sflag:s3], $0x8000  }
0x28: {  	[sflag:s3] =	ssyncset.done $0x0  }
.LBB2_2:
0x29: {  	[sflag:s3] =	ssyncadd.s32 $0xFFFF8000  }
0x2a: {  	_ =	sfence.sel $0x180000  }
0x2b: {  	[bflag:$0x0] =	sbarrier.arrive $0xFFFF  }
0x2c: {  	p0 =	sne.s32 s0, $0x0;
	_ =	strace $0x9000004D  }
0x2d: {  	s0 =	sadd.s32 @!p0 $0x100000, s1;
	[bflag:$0x2] =	sbarrier.arrive $0xFFFF  }
0x2e: {  	[sflag:s0] =	ssyncadd.tile.s32 @!p0 $0x1;
	_ =	shalt  }
.Lfunc_end2:
_tile_overlayer_lowered:
.L_overlay_start_2:
0x2f: {  	(tag) =	ssettag $0x2  }
0x30: {  	s0 =	rddreg [dreg:$0x0];
	s2 =	stileid.u32  }
0x31: {  	s1 =	rddreg [dreg:$0x1];
	p0 =	sne.s32 s2, $0x0  }
0x32: {  	s3 =	rddreg [dreg:$0x2];
	[bflag:$0x3] =	sbarrier.arrive $0xFFFF;
	s2 =	simm.s32 @!p0 $0x1C02  }
0x33: {  	[timem:s3], [sflag:s2] =	dma.local @!p0 [hbm:s0], s1  }
0x34: {  	s0 =	simm.s32 @!p0 $0x2  }
0x35: {  	_ =	swait.ge @!p0 [sflag:s0], s1  }
0x36: {  	s1 =	ssub.s32 @!p0 $0x0, s1;
	[sflag:s0] =	ssyncset.done @!p0 $0x0  }
0x37: {  	[sflag:s0] =	ssyncadd.s32 @!p0 s1  }
0x38: {  	[bflag:$0x3] =	sbarrier.arrive $0xFFFF  }
0x39: {  	_ =	shalt  }

// kernel: kernel.15.cloned.1.call-start
scs
__scs_entry_jumppad:
0x0: {  	(pc) =	sbr.rel $0x88, $3  }
0x1: {  	(tag) =	ssettag $0x0;
	lr =	simm.s32 $0x1  }
0x2: {  	[smem:$0x3F91] =	sst lr;
	_ =	strace $0xD0000000  }
0x3: {  	_ = 	snop  }
0x4: {  	_ = 	snop  }
0x5: {  	_ = 	snop  }
0x6: {  	_ = 	snop  }
0x7: {  	_ = 	snop  }
__scs_overlays_trampoline_lowered:
0x8: {  	[smem:$0x3FA0] =	sst s0  }
0x9: {  	[smem:$0x3FA1] =	sst s1  }
0xa: {  	[smem:$0x3FA2] =	sst s2  }
0xb: {  	[smem:$0x3FA3] =	sst s3  }
0xc: {  	[smem:$0x3FA4] =	sst s4  }
0xd: {  	[smem:$0x3FA5] =	sst s5  }
0xe: {  	[smem:$0x3FA6] =	sst s6  }
0xf: {  	[smem:$0x3FA7] =	sst s7  }
0x10: {  	[smem:$0x3FA8] =	sst s8  }
0x11: {  	[smem:$0x3FA9] =	sst s9;
	s0 =	simm.s32 @!p0 $0x0  }
0x12: {  	s1 =	sld [smem:$0x3F8F];
	s0 =	simm.s32 @p0 $0x1  }
0x13: {  	[smem:$0x3FAA] =	sst s0;
	s0 =	simm.s32 @!p1 $0x0  }
0x14: {  	s2 =	sld [smem:$0x3F8E];
	s0 =	simm.s32 @p1 $0x1  }
0x15: {  	[smem:$0x3FAB] =	sst s0;
	s0 =	simm.s32 @!p2 $0x0  }
0x16: {  	s3 =	sld [smem:$0x3FDB];
	s0 =	simm.s32 @p2 $0x1  }
0x17: {  	s4 =	simm.s32 $0x1BF5;
	[smem:$0x3FAD] =	sst s0  }
0x18: {  	s0 =	sld [smem:$0x3F90];
	_ =	swait.ge [sflag:s4], $0x0  }
0x19: {  	s7 =	sld [smem:$0x3F91]  }
0x1a: {  	s8 =	sadd.s32 $0xFFFFE003, lr  }
0x1b: {  	s9 =	sadd.s32 $0xFFFFFEF7, lr;
	s5 =	simm.s32 $0xFFFFFFFF;
	p2 =	slt.u32 s8, $0xFFFFF086  }
0x1c: {  	p1 =	slt.u32 s9, $0xF7A;
	s5 =	simm.s32 @!p2 $0x0  }
0x1d: {  	s5 =	simm.s32 @p1 $0x1;
	p0 =	seq.s32 s7, s2  }
0x1e: {  	s7 =	smul.u32 @!p0 $0xF7A, s2;
	p2 =	seq.s32 @!p0 s5, $0x0  }
0x1f: {  	s9 =	smul.u32 $0xF7A, s1;
	s8 =	simm.s32 @!p0 $0x1BF5;
	p2 =	por !p2, p0  }
0x20: {  	[sflag:s8] =	ssyncset.s32 @!p0 $0xFFFFF086;
	s6 =	sadd.s32 @!p0 s3, s7;
	s7 =	simm.s32 @!p0 $0x108  }
0x21: {  	s3 =	sadd.s32 s3, s9;
	s6 =	sadd.s32 @!p0 $0x88, s6;
	s7 =	simm.s32 @p2 $0x1082  }
0x22: {  	[simem:s7], [sflag:s8] =	dma.local @!p0 [hbm:s6], $0xF7A  }
0x23: {  	s9 =	sor.u32 $0xD0000000, s2;
	s6 =	simm.s32 $0x108;
	_ =	swait.ge @!p0 [sflag:s8], $0x0  }
0x24: {  	s3 =	sadd.s32 $0x88, s3;
	s6 =	simm.s32 @!p1 $0x1082;
	[sflag:s4] =	ssyncset.s32 $0xFFFFF086  }
0x25: {  	[simem:s6], [sflag:s4] =	dma.local [hbm:s3], $0xF7A  }
0x26: {  	[smem:$0x3F91] =	sst s1;
	(tag) =	ssettag s2;
	_ =	strace s9  }
0x27: {  	s1 =	sld [smem:$0x3FA1]  }
0x28: {  	s2 =	sld [smem:$0x3FA2]  }
0x29: {  	s4 =	sld [smem:$0x3FA4]  }
0x2a: {  	p0 =	seq.s32 s5, $0x0;
	s5 =	sld [smem:$0x3FA5]  }
0x2b: {  	s6 =	sld [smem:$0x3FA6]  }
0x2c: {  	s7 =	sld [smem:$0x3FA7]  }
0x2d: {  	s3 =	simm.s32 $0x108;
	s8 =	sld [smem:$0x3FA8]  }
0x2e: {  	s3 =	simm.s32 @!p0 $0x1082;
	s9 =	sld [smem:$0x3FA9]  }
0x2f: {  	lr =	sadd.s32 s0, s3;
	s0 =	sld [smem:$0x3FA0]  }
0x30: {  	s3 =	sld [smem:$0x3FA3]  }
0x31: {  	[smem:$0x3FAC] =	sst s10  }
0x32: {  	s10 =	sld [smem:$0x3FAA];
	_ =	sdelay $0x3  }
0x33: {  	p0 =	seq.s32 s10, $0x1;
	s10 =	sld [smem:$0x3FAC];
	_ =	sdelay $0x3  }
0x34: {  	[smem:$0x3FAC] =	sst s10  }
0x35: {  	s10 =	sld [smem:$0x3FAB];
	_ =	sdelay $0x3  }
0x36: {  	p1 =	seq.s32 s10, $0x1;
	s10 =	sld [smem:$0x3FAC];
	_ =	sdelay $0x3  }
0x37: {  	[smem:$0x3FAC] =	sst s10  }
0x38: {  	s10 =	sld [smem:$0x3FAD]  }
0x39: {  	_ = 	snop;
	(pc) =	sbr.ind lr, $3  }
0x3a: {  	_ = 	snop  }
0x3b: {  	_ = 	snop  }
0x3c: {  	p2 =	seq.s32 s10, $0x1;
	s10 =	sld [smem:$0x3FAC]  }
0x3d: {  	_ =	shalt  }
0x3e: {  	_ =	shalt  }
0x3f: {  	_ =	shalt  }
0x40: {  	_ =	shalt  }
0x41: {  	_ =	shalt  }
0x42: {  	_ =	shalt  }
0x43: {  	_ =	shalt  }
0x44: {  	_ =	shalt  }
0x45: {  	_ =	shalt  }
0x46: {  	_ =	shalt  }
0x47: {  	_ =	shalt  }
0x48: {  	_ =	shalt  }
0x49: {  	_ =	shalt  }
0x4a: {  	_ =	shalt  }
0x4b: {  	_ =	shalt  }
0x4c: {  	_ =	shalt  }
0x4d: {  	_ =	shalt  }
0x4e: {  	_ =	shalt  }
0x4f: {  	_ =	shalt  }
0x50: {  	_ =	shalt  }
0x51: {  	_ =	shalt  }
0x52: {  	_ =	shalt  }
0x53: {  	_ =	shalt  }
0x54: {  	_ =	shalt  }
0x55: {  	_ =	shalt  }
0x56: {  	_ =	shalt  }
0x57: {  	_ =	shalt  }
0x58: {  	_ =	shalt  }
0x59: {  	_ =	shalt  }
0x5a: {  	_ =	shalt  }
0x5b: {  	_ =	shalt  }
0x5c: {  	_ =	shalt  }
0x5d: {  	_ =	shalt  }
0x5e: {  	_ =	shalt  }
0x5f: {  	_ =	shalt  }
0x60: {  	_ =	shalt  }
0x61: {  	_ =	shalt  }
0x62: {  	_ =	shalt  }
0x63: {  	_ =	shalt  }
0x64: {  	_ =	shalt  }
0x65: {  	_ =	shalt  }
0x66: {  	_ =	shalt  }
0x67: {  	_ =	shalt  }
0x68: {  	_ =	shalt  }
0x69: {  	_ =	shalt  }
0x6a: {  	_ =	shalt  }
0x6b: {  	_ =	shalt  }
0x6c: {  	_ =	shalt  }
0x6d: {  	_ =	shalt  }
0x6e: {  	_ =	shalt  }
0x6f: {  	_ =	shalt  }
0x70: {  	_ =	shalt  }
0x71: {  	_ =	shalt  }
0x72: {  	_ =	shalt  }
0x73: {  	_ =	shalt  }
0x74: {  	_ =	shalt  }
0x75: {  	_ =	shalt  }
0x76: {  	_ =	shalt  }
0x77: {  	_ =	shalt  }
0x78: {  	_ =	shalt  }
0x79: {  	_ =	shalt  }
0x7a: {  	_ =	shalt  }
0x7b: {  	_ =	shalt  }
0x7c: {  	_ =	shalt  }
0x7d: {  	_ =	shalt  }
0x7e: {  	_ =	shalt  }
0x7f: {  	_ =	shalt  }
0x80: {  	_ =	shalt  }
0x81: {  	_ =	shalt  }
0x82: {  	_ =	shalt  }
0x83: {  	_ =	shalt  }
0x84: {  	_ =	shalt  }
0x85: {  	_ =	shalt  }
0x86: {  	_ =	shalt  }
0x87: {  	_ =	shalt  }
.Lfunc_end0:
.L_simem_size_0:
called_computation.2_lowered:
.L_overlay_start_0:
0x88: {  	s2 =	sld [smem:$0x3FD9]  }
0x89: {  	s3 =	sld [smem:$0x3FFE];
	_ =	sdelay $0x1  }
0x8a: {  	s1 =	srdreg.scid  }
0x8b: {  	s0 =	sand.u32 $0x1, s1  }
0x8c: {  	s17 =	sshll.u32 s0, $0xA;
	s2 =	sadd.s32 s3, s2  }
0x8d: {  	s2 =	sadd.s32 s2, s17  }
0x8e: {  	[smem:$0x3FB8] =	sst s2  }
0x8f: {  	_ = 	snop  }
0x90: {  	s18 =	sld [smem:$0x3FD0];
	(tm) =	ssettm $0x1  }
0x91: {  	s19 =	sld [smem:$0x3FFB];
	_ =	sdelay $0x3  }
0x92: {  	_ =	strace s19  }
0x93: {  	s2 =	sld [smem:$0x3FFC];
	_ =	sdelay $0x3  }
0x94: {  	_ =	strace s2  }
0x95: {  	s2 =	sld [smem:$0x3FFD];
	_ =	sdelay $0x3  }
0x96: {  	_ =	strace s2  }
0x97: {  	_ =	strace $0x8FFFFFFF  }
0x98: {  	s20 =	sld [smem:$0x3FDB];
	_ =	sdelay $0x1  }
0x99: {  	s4 =	simm.s32 $_scs_section_size  }
0x9a: {  	s5 =	simm.s32 $_size__tile_overlayer_lowered;
	s6 =	simm.s32 $_tile_overlayer_lowered  }
0x9b: {  	s7 =	simm.s32 $0x1BFF;
	s21 =	sshll.u32 s6, $0x1;
	s4 =	sadd.s32 s4, s20  }
0x9c: {  	s22 =	simm.s32 $0x0;
	s5 =	sshll.u32 s5, $0x1;
	s6 =	sadd.s32 s21, s4  }
0x9d: {  	[timem:s22], [sflag:s7] =	dma.local [hbm:s6], s5  }
0x9e: {  	_ =	swait.ge [sflag:s7], s5  }
0x9f: {  	s5 =	ssub.s32 $0x0, s5;
	[sflag:s7] =	ssyncset.done $0x0  }
0xa0: {  	[sflag:s7] =	ssyncadd.s32 s5;
	_ =	sdelay $0x1  }
0xa1: {  	s23 =	simm.s32 $0x1B8B  }
0xa2: {  	_ =	swait.ge [sflag:s23], $0x1  }
0xa3: {  	[sflag:s23] =	ssyncset.done $0x0  }
0xa4: {  	[sflag:s23] =	ssyncadd.s32 $0xFFFFFFFF  }
0xa5: {  	s5 =	sld [smem:$0x0]  }
0xa6: {  	s6 =	sand.u32 $0xFFFFFFFE, s1  }
0xa7: {  	p0 =	sne.s32 s1, s6  }
0xa8: {  	s6 =	sshll.u32 @p0 s6, $0xE  }
0xa9: {  	s6 =	sadd.s32 @p0 $0x11B8D, s6;
	s7 =	sshll.u32 @p0 s5, $0x11  }
0xaa: {  	s6 =	sor.u32 @p0 s7, s6  }
0xab: {  	[sflag:s6] =	ssyncadd.remote.s32 @p0 $0x1;
	_ =	sdelay $0x1  }
0xac: {  	s6 =	simm.s32 @p0 $0x1B8D  }
0xad: {  	_ =	swait.eq @p0 [sflag:s6], $0x1  }
0xae: {  	[sflag:s6] =	ssyncadd.s32 @p0 $0xFFFFFFFF  }
0xaf: {  	s7 =	sshll.u32 @!p0 s1, $0xE  }
0xb0: {  	s7 =	sor.u32 @!p0 $0x4000, s7;
	s6 =	simm.s32 @!p0 $0x1B8D  }
0xb1: {  	s5 =	sshll.u32 @!p0 s5, $0x11;
	s7 =	sadd.s32 @!p0 $0x11B8D, s7;
	_ =	swait.eq @!p0 [sflag:s6], $0x1  }
0xb2: {  	s5 =	sor.u32 @!p0 s5, s7;
	[sflag:s6] =	ssyncadd.s32 @!p0 $0xFFFFFFFF  }
0xb3: {  	s25 =	simm.s32 $0x1B8E;
	s24 =	sld [smem:$0x3FFE];
	[sflag:s5] =	ssyncadd.remote.s32 @!p0 $0x1  }
0xb4: {  	s26 =	simm.s32 $execute0_lowered;
	[smem:$0x3FD2] =	sst s25  }
0xb5: {  	s6 =	sshll.u32 s26, $0x1;
	_ =	strace $0x80000049;
	[dreg:$0x1] =	wrdreg $0xFFFFFFFF  }
0xb6: {  	s28 =	simm.s32 $_size_execute0_lowered;
	s4 =	sadd.s32 s4, s6;
	[dreg:$0x0] =	wrdreg $0x0  }
0xb7: {  	s6 =	sshll.u32 s28, $0x1;
	[dreg:$0x2] =	wrdreg s4  }
0xb8: {  	[dreg:$0x3] =	wrdreg s6  }
0xb9: {  	[dreg:$0x4] =	wrdreg $0xC0  }
0xba: {  	_ =	task [dreg:s22], $0x5FFFF  }
0xbb: {  	[dreg:$0x1] =	wrdreg $0xFFFFFFFF  }
0xbc: {  	[dreg:$0x0] =	wrdreg $0x60  }
0xbd: {  	[dreg:$0x2] =	wrdreg s24  }
0xbe: {  	[dreg:$0x3] =	wrdreg s18  }
0xbf: {  	[dreg:$0x4] =	wrdreg $0xB  }
0xc0: {  	_ =	task.clear_ibuf [dreg:s22], $0x5FFFF;
	_ =	strace $0x90000049  }
0xc1: {  	s29 =	simm.s32 $0xB;
	_ =	strace $0x8000004B  }
0xc2: {  	_ =	swait.ge [sflag:s29], $0x1  }
0xc3: {  	[sflag:s29] =	ssyncadd.s32 $0xFFFFFFFF  }
0xc4: {  	_ =	strace $0x9000004B  }
0xc5: {  	_ =	sfence  }
0xc6: {  	s30 =	sld [smem:$0x0];
	_ =	sdelay $0x2  }
0xc7: {  	s31 =	sshll.u32 s1, $0xD;
	s1 =	sshrl.u32 s1, $0x2  }
0xc8: {  	s4 =	sand.u32 $0x4000, s31;
	s1 =	sadd.s32 s1, s30  }
0xc9: {  	s0 =	sor.u32 s4, s0;
	s1 =	sshll.u32 s1, $0x11  }
0xca: {  	s0 =	sor.u32 s1, s0  }
0xcb: {  	s0 =	sadd.s32 $0x8F2B, s0  }
0xcc: {  	[sflag:s0] =	ssyncadd.remote.s32 $0x1  }
0xcd: {  	_ =	sfence.sel $0xFFFF  }
0xce: {  	[dreg:$0x0] =	wrdreg $0xFFFFFFFF;
	(pc) =	sbr.abs _section_cstart, $3  }
0xcf: {  	[dreg:$0x1] =	wrdreg $0xFFFFFFFF  }
0xd0: {  	_ =	task.clear_ibuf [dreg:s22], $0x2FFFF;
	_ =	strace $0x9FFFFFFF  }
0xd1: {  	(tm) =	ssettm $0x7FFFFFFF  }
tec
execute0_lowered:
.L_overlay_start_1:
0x0: {  	(tag) =	ssettag $0x1  }
0x1: {  	s1 =	srdreg.scid  }
0x2: {  	s10 =	rddreg [dreg:$0x0];
	s0 =	stileid.u32;
	s11 =	sand.u32 $0x1, s1  }
0x3: {  	s3 =	rddreg [dreg:$0x1];
	s4 =	sshll.u32 s0, $0x9;
	s5 =	sshll.u32 s11, $0x8  }
0x4: {  	s2 =	simm.s32 $0x0;
	s1 =	rddreg [dreg:$0x2];
	s12 =	sor.u32 s5, s4  }
0x5: {  	[smem:$0x7FF] =	sst s2;
	s4 =	sshrl.u32 s12, $0x3  }
0x6: {  	_ =	strace $0x8000004A;
	s4 =	sadd.s32 s3, s4;
	s3 =	simm.s32 $0x2  }
0x7: {  	[tilespmem:s2], [sflag:$0x2] =	stream.linear.gather [hbm4b:s4+s2], $0x100, $0x38;
	[tilespmem:$0x8100] =	vst v63  }
0x8: {  	_ =	swait.ge [sflag:s3], $0x100  }
0x9: {  	s6 =	simm.s32 $0x80;
	[sflag:s3] =	ssyncset.done $0x0  }
0xa: {  	s7 =	simm.s32 $0x100;
	s5 =	sadd.s32 $0x3800, s10;
	[sflag:s3] =	ssyncadd.s32 $0xFFFFFF00  }
0xb: {  	[tilespmem:s7], [sflag:$0x1] =	stream.indirect.gather [hbm4b:s5+s6], $0x80, s2, s6, $0xb8;
	[tilespmem:$0x8100] =	vst v63  }
0xc: {  	s8 =	simm.s32 $0x4100;
	s9 =	simm.s32 $0x1;
	s11 =	ssub.s32 $0x2, s11  }
0xd: {  	[tilespmem:s8], [sflag:$0x1] =	stream.indirect.gather [hbm4b:s5+s6], $0x80, s6, s6, $0xb8;
	[tilespmem:$0x8100] =	vst v63  }
0xe: {  	s13 =	sshrl.u32 s11, $0x1;
	_ =	swait.ge [sflag:s9], $0x4000  }
0xf: {  	s11 =	ssub.s32 s11, s13;
	[sflag:s9] =	ssyncset.done $0x0  }
0x10: {  	s11 =	smax.u32 s11, $0x1;
	[sflag:s9] =	ssyncadd.s32 $0xFFFFC000  }
0x11: {  	s12 =	sshll.u32 s12, $0x4;
	p0 =	sne.s32 s11, $0x1;
	_ =	swait.ge [sflag:s9], $0x4000  }
.Ltmp0:
0x12: {  	s10 =	sadd.s32 s12, s10;
	[sflag:s9] =	ssyncset.done $0x0;
	(pc) =	sbr.rel @!p0 .LBB2_2-.Ltmp0, $4  }
0x13: {  	s10 =	sadd.s32 $0x1A5800, s10;
	[sflag:s9] =	ssyncadd.s32 $0xFFFFC000  }
0x14: {  	[hbm4b:s10+s2] =	stream.linear.scatter [tilespmem:s7], [sflag:$0x2], $0x8000, $0x38;
	[tilespmem:$0x8100] =	vst v63  }
0x15: {  	_ =	swait.ge [sflag:s3], $0x8000  }
0x16: {  	s11 =	sadd.s32 $0xFFFFFFFF, s11;
	[sflag:s3] =	ssyncset.done $0x0  }
.LBB2_1:
0x17: {  	p0 =	sne.s32 s11, $0x1;
	s11 =	sadd.s32 $0xFFFFFFFF, s11;
	[sflag:s3] =	ssyncadd.s32 $0xFFFF8000  }
0x18: {  	[tilespmem:s2], [sflag:$0x2] =	stream.linear.gather [hbm4b:s4+s2], $0x100, $0x38;
	[tilespmem:$0x8100] =	vst v63  }
0x19: {  	_ =	swait.ge [sflag:s3], $0x100  }
0x1a: {  	[sflag:s3] =	ssyncset.done $0x0  }
0x1b: {  	[sflag:s3] =	ssyncadd.s32 $0xFFFFFF00  }
0x1c: {  	[tilespmem:s7], [sflag:$0x1] =	stream.indirect.gather [hbm4b:s5+s6], $0x80, s2, s6, $0xb8;
	[tilespmem:$0x8100] =	vst v63  }
0x1d: {  	_ = 	snop  }
0x1e: {  	[tilespmem:s8], [sflag:$0x1] =	stream.indirect.gather [hbm4b:s5+s6], $0x80, s6, s6, $0xb8;
	[tilespmem:$0x8100] =	vst v63  }
0x1f: {  	_ =	swait.ge [sflag:s9], $0x4000  }
0x20: {  	[sflag:s9] =	ssyncset.done $0x0  }
0x21: {  	[sflag:s9] =	ssyncadd.s32 $0xFFFFC000  }
0x22: {  	_ =	swait.ge [sflag:s9], $0x4000  }
.Ltmp1:
0x23: {  	[sflag:s9] =	ssyncset.done $0x0;
	(pc) =	sbr.rel @p0 .LBB2_1-.Ltmp1, $4  }
0x24: {  	[sflag:s9] =	ssyncadd.s32 $0xFFFFC000  }
0x25: {  	[hbm4b:s10+s2] =	stream.linear.scatter [tilespmem:s7], [sflag:$0x2], $0x8000, $0x38;
	[tilespmem:$0x8100] =	vst v63  }
0x26: {  	_ =	swait.ge [sflag:s3], $0x8000  }
0x27: {  	[sflag:s3] =	ssyncset.done $0x0  }
.LBB2_2:
0x28: {  	[sflag:s3] =	ssyncadd.s32 $0xFFFF8000  }
0x29: {  	_ =	sfence.sel $0x180000  }
0x2a: {  	[bflag:$0x0] =	sbarrier.arrive $0xFFFF  }
0x2b: {  	p0 =	sne.s32 s0, $0x0;
	_ =	strace $0x9000004A  }
0x2c: {  	s0 =	sadd.s32 @!p0 $0x100000, s1;
	[bflag:$0x2] =	sbarrier.arrive $0xFFFF  }
0x2d: {  	[sflag:s0] =	ssyncadd.tile.s32 @!p0 $0x1;
	_ =	shalt  }
.Lfunc_end2:
_tile_overlayer_lowered:
.L_overlay_start_2:
0x2e: {  	(tag) =	ssettag $0x2  }
0x2f: {  	s0 =	rddreg [dreg:$0x0];
	s2 =	stileid.u32  }
0x30: {  	s1 =	rddreg [dreg:$0x1];
	p0 =	sne.s32 s2, $0x0  }
0x31: {  	s3 =	rddreg [dreg:$0x2];
	[bflag:$0x3] =	sbarrier.arrive $0xFFFF;
	s2 =	simm.s32 @!p0 $0x1C02  }
0x32: {  	[timem:s3], [sflag:s2] =	dma.local @!p0 [hbm:s0], s1  }
0x33: {  	s0 =	simm.s32 @!p0 $0x2  }
0x34: {  	_ =	swait.ge @!p0 [sflag:s0], s1  }
0x35: {  	s1 =	ssub.s32 @!p0 $0x0, s1;
	[sflag:s0] =	ssyncset.done @!p0 $0x0  }
0x36: {  	[sflag:s0] =	ssyncadd.s32 @!p0 s1  }
0x37: {  	[bflag:$0x3] =	sbarrier.arrive $0xFFFF  }
0x38: {  	_ =	shalt  }

// kernel: kernel.9.cloned.1.call-start
scs
__scs_entry_jumppad:
0x0: {  	(pc) =	sbr.rel $0x88, $3  }
0x1: {  	(tag) =	ssettag $0x0;
	lr =	simm.s32 $0x1  }
0x2: {  	[smem:$0x3F91] =	sst lr;
	_ =	strace $0xD0000000  }
0x3: {  	_ = 	snop  }
0x4: {  	_ = 	snop  }
0x5: {  	_ = 	snop  }
0x6: {  	_ = 	snop  }
0x7: {  	_ = 	snop  }
__scs_overlays_trampoline_lowered:
0x8: {  	[smem:$0x3FA0] =	sst s0  }
0x9: {  	[smem:$0x3FA1] =	sst s1  }
0xa: {  	[smem:$0x3FA2] =	sst s2  }
0xb: {  	[smem:$0x3FA3] =	sst s3  }
0xc: {  	[smem:$0x3FA4] =	sst s4  }
0xd: {  	[smem:$0x3FA5] =	sst s5  }
0xe: {  	[smem:$0x3FA6] =	sst s6  }
0xf: {  	[smem:$0x3FA7] =	sst s7  }
0x10: {  	[smem:$0x3FA8] =	sst s8  }
0x11: {  	[smem:$0x3FA9] =	sst s9;
	s0 =	simm.s32 @!p0 $0x0  }
0x12: {  	s1 =	sld [smem:$0x3F8F];
	s0 =	simm.s32 @p0 $0x1  }
0x13: {  	[smem:$0x3FAA] =	sst s0;
	s0 =	simm.s32 @!p1 $0x0  }
0x14: {  	s2 =	sld [smem:$0x3F8E];
	s0 =	simm.s32 @p1 $0x1  }
0x15: {  	[smem:$0x3FAB] =	sst s0;
	s0 =	simm.s32 @!p2 $0x0  }
0x16: {  	s3 =	sld [smem:$0x3FDB];
	s0 =	simm.s32 @p2 $0x1  }
0x17: {  	s4 =	simm.s32 $0x1BF5;
	[smem:$0x3FAD] =	sst s0  }
0x18: {  	s0 =	sld [smem:$0x3F90];
	_ =	swait.ge [sflag:s4], $0x0  }
0x19: {  	s7 =	sld [smem:$0x3F91]  }
0x1a: {  	s8 =	sadd.s32 $0xFFFFE003, lr  }
0x1b: {  	s9 =	sadd.s32 $0xFFFFFEF7, lr;
	s5 =	simm.s32 $0xFFFFFFFF;
	p2 =	slt.u32 s8, $0xFFFFF086  }
0x1c: {  	p1 =	slt.u32 s9, $0xF7A;
	s5 =	simm.s32 @!p2 $0x0  }
0x1d: {  	s5 =	simm.s32 @p1 $0x1;
	p0 =	seq.s32 s7, s2  }
0x1e: {  	s7 =	smul.u32 @!p0 $0xF7A, s2;
	p2 =	seq.s32 @!p0 s5, $0x0  }
0x1f: {  	s9 =	smul.u32 $0xF7A, s1;
	s8 =	simm.s32 @!p0 $0x1BF5;
	p2 =	por !p2, p0  }
0x20: {  	[sflag:s8] =	ssyncset.s32 @!p0 $0xFFFFF086;
	s6 =	sadd.s32 @!p0 s3, s7;
	s7 =	simm.s32 @!p0 $0x108  }
0x21: {  	s3 =	sadd.s32 s3, s9;
	s6 =	sadd.s32 @!p0 $0x88, s6;
	s7 =	simm.s32 @p2 $0x1082  }
0x22: {  	[simem:s7], [sflag:s8] =	dma.local @!p0 [hbm:s6], $0xF7A  }
0x23: {  	s9 =	sor.u32 $0xD0000000, s2;
	s6 =	simm.s32 $0x108;
	_ =	swait.ge @!p0 [sflag:s8], $0x0  }
0x24: {  	s3 =	sadd.s32 $0x88, s3;
	s6 =	simm.s32 @!p1 $0x1082;
	[sflag:s4] =	ssyncset.s32 $0xFFFFF086  }
0x25: {  	[simem:s6], [sflag:s4] =	dma.local [hbm:s3], $0xF7A  }
0x26: {  	[smem:$0x3F91] =	sst s1;
	(tag) =	ssettag s2;
	_ =	strace s9  }
0x27: {  	s1 =	sld [smem:$0x3FA1]  }
0x28: {  	s2 =	sld [smem:$0x3FA2]  }
0x29: {  	s4 =	sld [smem:$0x3FA4]  }
0x2a: {  	p0 =	seq.s32 s5, $0x0;
	s5 =	sld [smem:$0x3FA5]  }
0x2b: {  	s6 =	sld [smem:$0x3FA6]  }
0x2c: {  	s7 =	sld [smem:$0x3FA7]  }
0x2d: {  	s3 =	simm.s32 $0x108;
	s8 =	sld [smem:$0x3FA8]  }
0x2e: {  	s3 =	simm.s32 @!p0 $0x1082;
	s9 =	sld [smem:$0x3FA9]  }
0x2f: {  	lr =	sadd.s32 s0, s3;
	s0 =	sld [smem:$0x3FA0]  }
0x30: {  	s3 =	sld [smem:$0x3FA3]  }
0x31: {  	[smem:$0x3FAC] =	sst s10  }
0x32: {  	s10 =	sld [smem:$0x3FAA];
	_ =	sdelay $0x3  }
0x33: {  	p0 =	seq.s32 s10, $0x1;
	s10 =	sld [smem:$0x3FAC];
	_ =	sdelay $0x3  }
0x34: {  	[smem:$0x3FAC] =	sst s10  }
0x35: {  	s10 =	sld [smem:$0x3FAB];
	_ =	sdelay $0x3  }
0x36: {  	p1 =	seq.s32 s10, $0x1;
	s10 =	sld [smem:$0x3FAC];
	_ =	sdelay $0x3  }
0x37: {  	[smem:$0x3FAC] =	sst s10  }
0x38: {  	s10 =	sld [smem:$0x3FAD]  }
0x39: {  	_ = 	snop;
	(pc) =	sbr.ind lr, $3  }
0x3a: {  	_ = 	snop  }
0x3b: {  	_ = 	snop  }
0x3c: {  	p2 =	seq.s32 s10, $0x1;
	s10 =	sld [smem:$0x3FAC]  }
0x3d: {  	_ =	shalt  }
0x3e: {  	_ =	shalt  }
0x3f: {  	_ =	shalt  }
0x40: {  	_ =	shalt  }
0x41: {  	_ =	shalt  }
0x42: {  	_ =	shalt  }
0x43: {  	_ =	shalt  }
0x44: {  	_ =	shalt  }
0x45: {  	_ =	shalt  }
0x46: {  	_ =	shalt  }
0x47: {  	_ =	shalt  }
0x48: {  	_ =	shalt  }
0x49: {  	_ =	shalt  }
0x4a: {  	_ =	shalt  }
0x4b: {  	_ =	shalt  }
0x4c: {  	_ =	shalt  }
0x4d: {  	_ =	shalt  }
0x4e: {  	_ =	shalt  }
0x4f: {  	_ =	shalt  }
0x50: {  	_ =	shalt  }
0x51: {  	_ =	shalt  }
0x52: {  	_ =	shalt  }
0x53: {  	_ =	shalt  }
0x54: {  	_ =	shalt  }
0x55: {  	_ =	shalt  }
0x56: {  	_ =	shalt  }
0x57: {  	_ =	shalt  }
0x58: {  	_ =	shalt  }
0x59: {  	_ =	shalt  }
0x5a: {  	_ =	shalt  }
0x5b: {  	_ =	shalt  }
0x5c: {  	_ =	shalt  }
0x5d: {  	_ =	shalt  }
0x5e: {  	_ =	shalt  }
0x5f: {  	_ =	shalt  }
0x60: {  	_ =	shalt  }
0x61: {  	_ =	shalt  }
0x62: {  	_ =	shalt  }
0x63: {  	_ =	shalt  }
0x64: {  	_ =	shalt  }
0x65: {  	_ =	shalt  }
0x66: {  	_ =	shalt  }
0x67: {  	_ =	shalt  }
0x68: {  	_ =	shalt  }
0x69: {  	_ =	shalt  }
0x6a: {  	_ =	shalt  }
0x6b: {  	_ =	shalt  }
0x6c: {  	_ =	shalt  }
0x6d: {  	_ =	shalt  }
0x6e: {  	_ =	shalt  }
0x6f: {  	_ =	shalt  }
0x70: {  	_ =	shalt  }
0x71: {  	_ =	shalt  }
0x72: {  	_ =	shalt  }
0x73: {  	_ =	shalt  }
0x74: {  	_ =	shalt  }
0x75: {  	_ =	shalt  }
0x76: {  	_ =	shalt  }
0x77: {  	_ =	shalt  }
0x78: {  	_ =	shalt  }
0x79: {  	_ =	shalt  }
0x7a: {  	_ =	shalt  }
0x7b: {  	_ =	shalt  }
0x7c: {  	_ =	shalt  }
0x7d: {  	_ =	shalt  }
0x7e: {  	_ =	shalt  }
0x7f: {  	_ =	shalt  }
0x80: {  	_ =	shalt  }
0x81: {  	_ =	shalt  }
0x82: {  	_ =	shalt  }
0x83: {  	_ =	shalt  }
0x84: {  	_ =	shalt  }
0x85: {  	_ =	shalt  }
0x86: {  	_ =	shalt  }
0x87: {  	_ =	shalt  }
.Lfunc_end0:
.L_simem_size_0:
called_computation_lowered:
.L_overlay_start_0:
0x88: {  	s2 =	sld [smem:$0x3FD9]  }
0x89: {  	s3 =	sld [smem:$0x3FFE];
	_ =	sdelay $0x1  }
0x8a: {  	s1 =	srdreg.scid  }
0x8b: {  	s0 =	sand.u32 $0x1, s1  }
0x8c: {  	s16 =	sshll.u32 s0, $0xA;
	s2 =	sadd.s32 s3, s2  }
0x8d: {  	s2 =	sadd.s32 s2, s16  }
0x8e: {  	[smem:$0x3FB8] =	sst s2  }
0x8f: {  	_ = 	snop  }
0x90: {  	(tm) =	ssettm $0x1  }
0x91: {  	s17 =	sld [smem:$0x3FFB];
	_ =	sdelay $0x3  }
0x92: {  	_ =	strace s17  }
0x93: {  	s2 =	sld [smem:$0x3FFC];
	_ =	sdelay $0x3  }
0x94: {  	_ =	strace s2  }
0x95: {  	s2 =	sld [smem:$0x3FFD];
	_ =	sdelay $0x3  }
0x96: {  	_ =	strace s2  }
0x97: {  	_ =	strace $0x8FFFFFFF  }
0x98: {  	s18 =	sld [smem:$0x3FDB];
	_ =	sdelay $0x1  }
0x99: {  	s19 =	simm.s32 $_scs_section_size  }
0x9a: {  	s4 =	simm.s32 $_size__tile_overlayer_lowered;
	s5 =	simm.s32 $_tile_overlayer_lowered  }
0x9b: {  	s22 =	simm.s32 $0x1BFF;
	s21 =	sshll.u32 s5, $0x1;
	s2 =	sadd.s32 s19, s18  }
0x9c: {  	s6 =	simm.s32 $0x0;
	s20 =	sshll.u32 s4, $0x1;
	s4 =	sadd.s32 s21, s2  }
0x9d: {  	[timem:s6], [sflag:s22] =	dma.local [hbm:s4], s20  }
0x9e: {  	_ =	swait.ge [sflag:s22], s20  }
0x9f: {  	s3 =	ssub.s32 $0x0, s20;
	[sflag:s22] =	ssyncset.done $0x0  }
0xa0: {  	[sflag:s22] =	ssyncadd.s32 s3;
	_ =	sdelay $0x1  }
0xa1: {  	s23 =	simm.s32 $0x1B8B  }
0xa2: {  	_ =	swait.ge [sflag:s23], $0x1  }
0xa3: {  	[sflag:s23] =	ssyncset.done $0x0  }
0xa4: {  	s25 =	simm.s32 $0x1B8E;
	s24 =	sld [smem:$0x3FFE];
	[sflag:s23] =	ssyncadd.s32 $0xFFFFFFFF  }
0xa5: {  	s26 =	simm.s32 $execute0_lowered;
	[smem:$0x3FD2] =	sst s25  }
0xa6: {  	s4 =	sshll.u32 s26, $0x1;
	_ =	strace $0x80000046;
	[dreg:$0x1] =	wrdreg $0xFFFFFFFF  }
0xa7: {  	s28 =	simm.s32 $_size_execute0_lowered;
	s2 =	sadd.s32 s2, s4;
	[dreg:$0x0] =	wrdreg $0x0  }
0xa8: {  	s4 =	sshll.u32 s28, $0x1;
	[dreg:$0x2] =	wrdreg s2  }
0xa9: {  	[dreg:$0x3] =	wrdreg s4  }
0xaa: {  	[dreg:$0x4] =	wrdreg $0xC0  }
0xab: {  	_ =	task [dreg:s6], $0x5FFFF  }
0xac: {  	[dreg:$0x1] =	wrdreg $0xFFFFFFFF  }
0xad: {  	[dreg:$0x0] =	wrdreg $0x60  }
0xae: {  	[dreg:$0x2] =	wrdreg s24  }
0xaf: {  	[dreg:$0x3] =	wrdreg $0x9  }
0xb0: {  	_ =	task.clear_ibuf [dreg:s6], $0x4FFFF;
	_ =	strace $0x90000046  }
0xb1: {  	s29 =	simm.s32 $0x9;
	_ =	strace $0x80000048  }
0xb2: {  	_ =	swait.ge [sflag:s29], $0x1  }
0xb3: {  	[sflag:s29] =	ssyncadd.s32 $0xFFFFFFFF  }
0xb4: {  	_ =	strace $0x90000048  }
0xb5: {  	_ =	sfence  }
0xb6: {  	s30 =	sld [smem:$0x0];
	_ =	sdelay $0x2  }
0xb7: {  	s31 =	sshll.u32 s1, $0xD;
	s1 =	sshrl.u32 s1, $0x2  }
0xb8: {  	s3 =	sand.u32 $0x4000, s31;
	s1 =	sadd.s32 s1, s30  }
0xb9: {  	s0 =	sor.u32 s3, s0;
	s1 =	sshll.u32 s1, $0x11  }
0xba: {  	s0 =	sor.u32 s1, s0  }
0xbb: {  	s0 =	sadd.s32 $0x8F2B, s0  }
0xbc: {  	[sflag:s0] =	ssyncadd.remote.s32 $0x1  }
0xbd: {  	_ =	sfence.sel $0xFFFF  }
0xbe: {  	[dreg:$0x0] =	wrdreg $0xFFFFFFFF;
	(pc) =	sbr.abs _section_cstart, $3  }
0xbf: {  	[dreg:$0x1] =	wrdreg $0xFFFFFFFF  }
0xc0: {  	_ =	task.clear_ibuf [dreg:s6], $0x2FFFF;
	_ =	strace $0x9FFFFFFF  }
0xc1: {  	(tm) =	ssettm $0x7FFFFFFF  }
tec
execute0_lowered:
.L_overlay_start_1:
0x0: {  	(tag) =	ssettag $0x1  }
0x1: {  	s1 =	srdreg.scid  }
0x2: {  	s0 =	stileid.u32;
	s9 =	rddreg [dreg:$0x0]  }
0x3: {  	s2 =	simm.s32 $0x0;
	s6 =	sand.u32 $0x1, s1;
	s30 =	sshll.u32 s0, $0x1  }
0x4: {  	s7 =	simm.s32 $0x80;
	s1 =	rddreg [dreg:$0x1];
	s10 =	sor.u32 s6, s30  }
0x5: {  	s8 =	simm.s32 $0x1;
	[smem:$0x7FF] =	sst s2;
	s3 =	sshll.u32 s10, $0x4  }
0x6: {  	s5 =	sadd.s32 $0x3800, s9;
	_ =	strace $0x80000047;
	s3 =	sadd.s32 s3, s9  }
0x7: {  	s11 =	ssub.s32 $0x2, s6;
	s4 =	sadd.s32 $0x3600, s3;
	s3 =	simm.s32 $0x2  }
0x8: {  	[tilespmem:s2], [sflag:$0x2] =	stream.linear.gather [hbm4b:s4+s2], $0x80, $0x38;
	[tilespmem:$0x880] =	vst v63  }
0x9: {  	s6 =	simm.s32 $0x10;
	s12 =	sshrl.u32 s11, $0x1;
	_ =	swait.ge [sflag:s3], $0x80  }
0xa: {  	s10 =	sshll.u32 s10, $0x8;
	s31 =	ssub.s32 s11, s12;
	[sflag:s3] =	ssyncset.done $0x0  }
0xb: {  	s9 =	sadd.s32 s10, s9;
	s10 =	smax.u32 s31, $0x1;
	[sflag:s3] =	ssyncadd.s32 $0xFFFFFF80  }
0xc: {  	[tilespmem:s7], [sflag:$0x1] =	stream.indirect.gather [hbm4b:s5+s6], $0x80, s2, s6, $0xb8;
	[tilespmem:$0x880] =	vst v63  }
0xd: {  	p0 =	sne.s32 s10, $0x1;
	_ =	swait.ge [sflag:s8], $0x800  }
.Ltmp0:
0xe: {  	[sflag:s8] =	ssyncset.done $0x0;
	(pc) =	sbr.rel @!p0 .LBB2_2-.Ltmp0, $4  }
0xf: {  	s9 =	sadd.s32 $0x1A3800, s9;
	[sflag:s8] =	ssyncadd.s32 $0xFFFFF800  }
0x10: {  	[hbm4b:s9+s2] =	stream.linear.scatter [tilespmem:s7], [sflag:$0x2], $0x800, $0x38;
	[tilespmem:$0x880] =	vst v63  }
0x11: {  	_ =	swait.ge [sflag:s3], $0x800  }
0x12: {  	s10 =	sadd.s32 $0xFFFFFFFF, s10;
	[sflag:s3] =	ssyncset.done $0x0  }
.LBB2_1:
0x13: {  	p0 =	sne.s32 s10, $0x1;
	s10 =	sadd.s32 $0xFFFFFFFF, s10;
	[sflag:s3] =	ssyncadd.s32 $0xFFFFF800  }
0x14: {  	[tilespmem:s2], [sflag:$0x2] =	stream.linear.gather [hbm4b:s4+s2], $0x80, $0x38;
	[tilespmem:$0x880] =	vst v63  }
0x15: {  	_ =	swait.ge [sflag:s3], $0x80  }
0x16: {  	[sflag:s3] =	ssyncset.done $0x0  }
0x17: {  	[sflag:s3] =	ssyncadd.s32 $0xFFFFFF80  }
0x18: {  	[tilespmem:s7], [sflag:$0x1] =	stream.indirect.gather [hbm4b:s5+s6], $0x80, s2, s6, $0xb8;
	[tilespmem:$0x880] =	vst v63  }
0x19: {  	_ =	swait.ge [sflag:s8], $0x800  }
.Ltmp1:
0x1a: {  	[sflag:s8] =	ssyncset.done $0x0;
	(pc) =	sbr.rel @p0 .LBB2_1-.Ltmp1, $4  }
0x1b: {  	[sflag:s8] =	ssyncadd.s32 $0xFFFFF800  }
0x1c: {  	[hbm4b:s9+s2] =	stream.linear.scatter [tilespmem:s7], [sflag:$0x2], $0x800, $0x38;
	[tilespmem:$0x880] =	vst v63  }
0x1d: {  	_ =	swait.ge [sflag:s3], $0x800  }
0x1e: {  	[sflag:s3] =	ssyncset.done $0x0  }
.LBB2_2:
0x1f: {  	[sflag:s3] =	ssyncadd.s32 $0xFFFFF800  }
0x20: {  	_ =	sfence.sel $0x180000  }
0x21: {  	[bflag:$0x0] =	sbarrier.arrive $0xFFFF  }
0x22: {  	p0 =	sne.s32 s0, $0x0;
	_ =	strace $0x90000047  }
0x23: {  	s0 =	sadd.s32 @!p0 $0x100000, s1;
	[bflag:$0x2] =	sbarrier.arrive $0xFFFF  }
0x24: {  	[sflag:s0] =	ssyncadd.tile.s32 @!p0 $0x1;
	_ =	shalt  }
.Lfunc_end2:
_tile_overlayer_lowered:
.L_overlay_start_2:
0x25: {  	(tag) =	ssettag $0x2  }
0x26: {  	s0 =	rddreg [dreg:$0x0];
	s2 =	stileid.u32  }
0x27: {  	s1 =	rddreg [dreg:$0x1];
	p0 =	sne.s32 s2, $0x0  }
0x28: {  	s3 =	rddreg [dreg:$0x2];
	[bflag:$0x3] =	sbarrier.arrive $0xFFFF;
	s2 =	simm.s32 @!p0 $0x1C02  }
0x29: {  	[timem:s3], [sflag:s2] =	dma.local @!p0 [hbm:s0], s1  }
0x2a: {  	s0 =	simm.s32 @!p0 $0x2  }
0x2b: {  	_ =	swait.ge @!p0 [sflag:s0], s1  }
0x2c: {  	s1 =	ssub.s32 @!p0 $0x0, s1;
	[sflag:s0] =	ssyncset.done @!p0 $0x0  }
0x2d: {  	[sflag:s0] =	ssyncadd.s32 @!p0 s1  }
0x2e: {  	[bflag:$0x3] =	sbarrier.arrive $0xFFFF  }
0x2f: {  	_ =	shalt  }

</sc_bundles>
